<compile_context>
chip_gen: v7x
topology: tpu7x:2x2x1
jax: 0.10.2.dev20260603
libtpu: 0.0.44.dev20260713+nightly
codegen_flags: <defaults>
</compile_context>

<pallas_src>
import functools

import jax
import jax.numpy as jnp
from jax import lax
from jax.experimental import pallas as pl
from jax.experimental.pallas import tpu as pltpu
from jax.experimental.pallas import tpu_sc as plsc

N = 20000
NCLS = 20
MAXP = 200
PADP = 256
CONF_T = 0.01
ART = 0.99
NMST = 0.45
VAR = (0.1, 0.1, 0.2, 0.2)
K = 1024
TAU = 0.96
KEY_BASE = 0x3F75C28F
KEY_NEG = -(2 ** 30)



def _decode_body(arm_bg_ref, arm_loc_ref, odm_cls_ref, odm_loc_ref,
                 anchors_ref, scores_ref, boxes_ref):
    a_cx = anchors_ref[0:1, :]
    a_cy = anchors_ref[1:2, :]
    a_w = anchors_ref[2:3, :]
    a_h = anchors_ref[3:4, :]

    r_cx = arm_loc_ref[0:1, :] * VAR[0] * a_w + a_cx
    r_cy = arm_loc_ref[1:2, :] * VAR[1] * a_h + a_cy
    r_w = a_w * jnp.exp(arm_loc_ref[2:3, :] * VAR[2])
    r_h = a_h * jnp.exp(arm_loc_ref[3:4, :] * VAR[3])

    d_cx = odm_loc_ref[0:1, :] * VAR[0] * r_w + r_cx
    d_cy = odm_loc_ref[1:2, :] * VAR[1] * r_h + r_cy
    d_w = r_w * jnp.exp(odm_loc_ref[2:3, :] * VAR[2])
    d_h = r_h * jnp.exp(odm_loc_ref[3:4, :] * VAR[3])

    xmin = jnp.clip(d_cx - d_w * 0.5, 0.0, 1.0)
    ymin = jnp.clip(d_cy - d_h * 0.5, 0.0, 1.0)
    xmax = jnp.clip(d_cx + d_w * 0.5, 0.0, 1.0)
    ymax = jnp.clip(d_cy + d_h * 0.5, 0.0, 1.0)

    boxes_ref[0:1, :] = xmin
    boxes_ref[1:2, :] = ymin
    boxes_ref[2:3, :] = xmax
    boxes_ref[3:4, :] = ymax
    z = jnp.zeros_like(xmin)
    boxes_ref[4:5, :] = z
    boxes_ref[5:6, :] = z
    boxes_ref[6:7, :] = z
    boxes_ref[7:8, :] = z

    keep = 1.0 - (arm_bg_ref[0:1, :] >= ART).astype(jnp.float32)
    cls = odm_cls_ref[:, :] * keep
    scores_ref[:, :] = jnp.where(cls > CONF_T, cls, 0.0)



_sc_mesh = plsc.VectorSubcoreMesh(core_axis_name="c", subcore_axis_name="s")


@functools.partial(
    pl.kernel,
    mesh=_sc_mesh,
    compiler_params=pltpu.CompilerParams(needs_layout_passes=False),
    out_type=(
        jax.ShapeDtypeStruct((NCLS, K), jnp.float32),
        jax.ShapeDtypeStruct((NCLS, K), jnp.float32),
        jax.ShapeDtypeStruct((NCLS, K), jnp.float32),
        jax.ShapeDtypeStruct((NCLS, K), jnp.float32),
        jax.ShapeDtypeStruct((NCLS, K), jnp.float32),
    ),
    scratch_types=[
        pltpu.VMEM((N,), jnp.float32),
        pltpu.VMEM((N,), jnp.float32),
        pltpu.VMEM((N,), jnp.float32),
        pltpu.VMEM((N,), jnp.float32),
        pltpu.VMEM((N,), jnp.float32),
        pltpu.VMEM((K,), jnp.float32),
        pltpu.VMEM((K,), jnp.int32),
        pltpu.VMEM((K,), jnp.float32),
    ],
)
def _sc_compact(scores_hbm, boxes_hbm,
                cs_hbm, cx_hbm, cy_hbm, cxx_hbm, cyy_hbm,
                s_v, x0_v, y0_v, x1_v, y1_v, cs_v, ci_v, plane_v):
    wid = lax.axis_index("c") * 16 + lax.axis_index("s")

    @pl.when(wid < NCLS)
    def _():
        pltpu.sync_copy(scores_hbm.at[wid], s_v)
        pltpu.sync_copy(boxes_hbm.at[0], x0_v)
        pltpu.sync_copy(boxes_hbm.at[1], y0_v)
        pltpu.sync_copy(boxes_hbm.at[2], x1_v)
        pltpu.sync_copy(boxes_hbm.at[3], y1_v)

        zf = jnp.zeros((16,), jnp.float32)
        zi = jnp.zeros((16,), jnp.int32)

        def zero_loop(j, _):
            cs_v[pl.ds(j * 16, 16)] = zf
            ci_v[pl.ds(j * 16, 16)] = zi
            return 0

        lax.fori_loop(0, K // 16, zero_loop, 0)

        lanes = lax.iota(jnp.int32, 16)

        def scan(i, off):
            for u in range(5):
                c = i * 5 + u
                v = s_v[pl.ds(c * 16, 16)]
                msk = v > TAU
                cnt = jnp.sum(jnp.where(msk, jnp.ones((16,), jnp.int32),
                                        jnp.zeros((16,), jnp.int32)))
                base = jnp.minimum(off, K - 16)
                plsc.store_compressed(cs_v.at[pl.ds(base, 16)], v, mask=msk)
                plsc.store_compressed(ci_v.at[pl.ds(base, 16)],
                                      lanes + c * 16, mask=msk)
                off = off + cnt
            return off

        off_final = lax.fori_loop(0, N // 80, scan, 0)

        @pl.when(off_final > K - 16)
        def _():
            lax.fori_loop(0, K // 16, zero_loop, 0)

        pltpu.sync_copy(cs_v, cs_hbm.at[wid])

        for coord_v, out_hbm in ((x0_v, cx_hbm), (y0_v, cy_hbm),
                                 (x1_v, cxx_hbm), (y1_v, cyy_hbm)):
            def extract(j, _, coord_v=coord_v):
                idxv = ci_v[pl.ds(j * 16, 16)]
                plane_v[pl.ds(j * 16, 16)] = plsc.load_gather(coord_v, [idxv])
                return 0

            lax.fori_loop(0, K // 16, extract, 0)
            pltpu.sync_copy(plane_v, out_hbm.at[wid])



def _nms_body(cs_ref, cx_ref, cy_ref, cxx_ref, cyy_ref, scores_in_ref,
              boxes_ref, out_ref, key_ref, carea_ref, sfull_ref):
    carea_ref[:, :] = (jnp.maximum(cxx_ref[:, :] - cx_ref[:, :], 0.0)
                       * jnp.maximum(cyy_ref[:, :] - cy_ref[:, :], 0.0))
    out_ref[:, :, :] = jnp.zeros((5, NCLS, PADP), jnp.float32)

    iota_k = lax.broadcasted_iota(jnp.int32, (NCLS, K), 1)
    lane = lax.broadcasted_iota(jnp.int32, (NCLS, PADP), 1)

    cs0 = cs_ref[:, :]
    csbits = jax.lax.bitcast_convert_type(cs0, jnp.int32)
    revlane = (K - 1) - iota_k
    key0 = jnp.where(cs0 > 0.0,
                     jax.lax.shift_left(csbits - KEY_BASE, 10) + revlane,
                     KEY_NEG)
    key_ref[:, :] = key0
    maxkey0 = jnp.max(key0, axis=1, keepdims=True)

    def body(i, carry):
        count, maxkey = carry
        cx = cx_ref[:, :]
        cy = cy_ref[:, :]
        cxx = cxx_ref[:, :]
        cyy = cyy_ref[:, :]
        valid = maxkey > 0
        idx = (K - 1) - jnp.bitwise_and(maxkey, 1023)
        m = jax.lax.bitcast_convert_type(
            jax.lax.shift_right_logical(maxkey, 10) + KEY_BASE,
            jnp.float32)
        onehot = iota_k == idx
        b_xmin = jnp.sum(jnp.where(onehot, cx, 0.0), axis=1,
                         keepdims=True)
        b_ymin = jnp.sum(jnp.where(onehot, cy, 0.0), axis=1,
                         keepdims=True)
        b_xmax = jnp.sum(jnp.where(onehot, cxx, 0.0), axis=1,
                         keepdims=True)
        b_ymax = jnp.sum(jnp.where(onehot, cyy, 0.0), axis=1,
                         keepdims=True)

        key = key_ref[:, :]
        ixmin = jnp.maximum(b_xmin, cx)
        iymin = jnp.maximum(b_ymin, cy)
        ixmax = jnp.minimum(b_xmax, cxx)
        iymax = jnp.minimum(b_ymax, cyy)
        iw = jnp.maximum(ixmax - ixmin, 0.0)
        ih = jnp.maximum(iymax - iymin, 0.0)
        inter = iw * ih
        area1 = (jnp.maximum(b_xmax - b_xmin, 0.0)
                 * jnp.maximum(b_ymax - b_ymin, 0.0))
        union = area1 + carea_ref[:, :] - inter
        iou = inter / jnp.maximum(union, 1e-8)
        new_key = jnp.where(iou >= NMST, KEY_NEG, key)
        key_ref[:, :] = new_key
        maxkey2 = jnp.max(new_key, axis=1, keepdims=True)

        sel = (lane == i) & valid
        out_ref[0, :, :] = jnp.where(sel, b_xmin, out_ref[0, :, :])
        out_ref[1, :, :] = jnp.where(sel, b_ymin, out_ref[1, :, :])
        out_ref[2, :, :] = jnp.where(sel, b_xmax, out_ref[2, :, :])
        out_ref[3, :, :] = jnp.where(sel, b_ymax, out_ref[3, :, :])
        out_ref[4, :, :] = jnp.where(sel, m, out_ref[4, :, :])
        return count + valid.astype(jnp.int32), maxkey2

    count0 = jnp.zeros((NCLS, 1), jnp.int32)
    count, _ = lax.fori_loop(0, MAXP, body, (count0, maxkey0), unroll=4)

    flags = count < MAXP

    @pl.when(jnp.any(flags))
    def _():
        sfull_ref[:, :] = jnp.where(flags, scores_in_ref[:, :], 0.0)
        flag_l = jnp.broadcast_to(flags, (NCLS, PADP))
        out_ref[0, :, :] = jnp.where(flag_l, 0.0, out_ref[0, :, :])
        out_ref[1, :, :] = jnp.where(flag_l, 0.0, out_ref[1, :, :])
        out_ref[2, :, :] = jnp.where(flag_l, 0.0, out_ref[2, :, :])
        out_ref[3, :, :] = jnp.where(flag_l, 0.0, out_ref[3, :, :])
        out_ref[4, :, :] = jnp.where(flag_l, 0.0, out_ref[4, :, :])

        iota_n = lax.broadcasted_iota(jnp.int32, (NCLS, N), 1)

        def step(i, _):
            scores = sfull_ref[:, :]
            xmin = boxes_ref[0:1, :]
            ymin = boxes_ref[1:2, :]
            xmax = boxes_ref[2:3, :]
            ymax = boxes_ref[3:4, :]

            m = jnp.max(scores, axis=1, keepdims=True)
            idx = jnp.min(jnp.where(scores == m, iota_n, N), axis=1,
                          keepdims=True)
            onehot = (iota_n == idx).astype(jnp.float32)
            b_xmin = jnp.sum(onehot * xmin, axis=1, keepdims=True)
            b_ymin = jnp.sum(onehot * ymin, axis=1, keepdims=True)
            b_xmax = jnp.sum(onehot * xmax, axis=1, keepdims=True)
            b_ymax = jnp.sum(onehot * ymax, axis=1, keepdims=True)
            valid = m > 0.0

            ixmin = jnp.maximum(b_xmin, xmin)
            iymin = jnp.maximum(b_ymin, ymin)
            ixmax = jnp.minimum(b_xmax, xmax)
            iymax = jnp.minimum(b_ymax, ymax)
            iw = jnp.maximum(ixmax - ixmin, 0.0)
            ih = jnp.maximum(iymax - iymin, 0.0)
            inter = iw * ih
            area1 = (jnp.maximum(b_xmax - b_xmin, 0.0)
                     * jnp.maximum(b_ymax - b_ymin, 0.0))
            area2 = (jnp.maximum(xmax - xmin, 0.0)
                     * jnp.maximum(ymax - ymin, 0.0))
            union = area1 + area2 - inter
            iou = inter / jnp.maximum(union, 1e-8)
            sfull_ref[:, :] = jnp.where(iou >= NMST, 0.0, scores)

            sel = (lane == i) & valid
            out_ref[0, :, :] = jnp.where(sel, b_xmin, out_ref[0, :, :])
            out_ref[1, :, :] = jnp.where(sel, b_ymin, out_ref[1, :, :])
            out_ref[2, :, :] = jnp.where(sel, b_xmax, out_ref[2, :, :])
            out_ref[3, :, :] = jnp.where(sel, b_ymax, out_ref[3, :, :])
            out_ref[4, :, :] = jnp.where(sel, m, out_ref[4, :, :])
            return 0

        lax.fori_loop(0, MAXP, step, 0)


def kernel(arm_cls, arm_loc, odm_cls, odm_loc, anchors):
    arm_bg = arm_cls[0, :, 0][None, :]
    arm_loc_t = arm_loc[0].T
    odm_cls_t = odm_cls[0].T[1:NCLS + 1]
    odm_loc_t = odm_loc[0].T
    anchors_t = anchors.T

    scores, boxes8 = pl.pallas_call(
        _decode_body,
        out_shape=(
            jax.ShapeDtypeStruct((NCLS, N), jnp.float32),
            jax.ShapeDtypeStruct((8, N), jnp.float32),
        ),
    )(arm_bg, arm_loc_t, odm_cls_t, odm_loc_t, anchors_t)

    cs, cx, cy, cxx, cyy = _sc_compact(scores, boxes8)

    out = pl.pallas_call(
        _nms_body,
        out_shape=jax.ShapeDtypeStruct((5, NCLS, PADP), jnp.float32),
        scratch_shapes=[
            pltpu.VMEM((NCLS, K), jnp.int32),
            pltpu.VMEM((NCLS, K), jnp.float32),
            pltpu.VMEM((NCLS, N), jnp.float32),
        ],
    )(cs, cx, cy, cxx, cyy, scores, boxes8)

    return jnp.transpose(out[:, :, :MAXP], (1, 2, 0))[None]

# --- scband reference (transcript-rebuilt; emitter-appended) ---
"""Pipeline reference for scband-refine-det-base-73469710565613 (READ-ONLY COPY).

The authoritative reference and input builder live on the scoring server;
editing this copy changes nothing except your own understanding.
"""

import jax, jax.numpy as jnp
import numpy as np

CONF_T = 0.01
ART = 0.99
MAXP = 200
NMST = 0.45
VAR = (0.1, 0.1, 0.2, 0.2)


def setup_inputs(seed: int = 0):
    key = jax.random.key(seed)
    k1, k2, k3, k4, k5 = jax.random.split(key, 5)
    B, N, C = 1, 20000, 21
    arm_cls = jax.random.uniform(k1, (B, N, 2), dtype=jnp.float32)
    arm_loc = jax.random.normal(k2, (B, N, 4), dtype=jnp.float32)
    odm_cls = jax.random.uniform(k3, (B, N, C), dtype=jnp.float32)
    odm_loc = jax.random.normal(k4, (B, N, 4), dtype=jnp.float32)
    anchors = jax.random.uniform(k5, (N, 4), dtype=jnp.float32)
    return {"arm_cls": arm_cls, "arm_loc": arm_loc, "odm_cls": odm_cls, "odm_loc": odm_loc, "anchors": anchors}


def _decode_loc(loc, a_cx, a_cy, a_w, a_h):
    # locenc2minmax-style SSD decoding: anchors in centroid (cx,cy,w,h) form
    cx = loc[..., 0] * VAR[0] * a_w + a_cx
    cy = loc[..., 1] * VAR[1] * a_h + a_cy
    w = a_w * jnp.exp(loc[..., 2] * VAR[2])
    h = a_h * jnp.exp(loc[..., 3] * VAR[3])
    return cx, cy, w, h


def _iou_one_to_many(box, boxes):
    xmin = jnp.maximum(box[0], boxes[:, 0])
    ymin = jnp.maximum(box[1], boxes[:, 1])
    xmax = jnp.minimum(box[2], boxes[:, 2])
    ymax = jnp.minimum(box[3], boxes[:, 3])
    iw = jnp.maximum(xmax - xmin, 0.0)
    ih = jnp.maximum(ymax - ymin, 0.0)
    inter = iw * ih
    area1 = jnp.maximum(box[2] - box[0], 0.0) * jnp.maximum(box[3] - box[1], 0.0)
    area2 = jnp.maximum(boxes[:, 2] - boxes[:, 0], 0.0) * jnp.maximum(boxes[:, 3] - boxes[:, 1], 0.0)
    union = area1 + area2 - inter
    return inter / jnp.maximum(union, 1e-8)


def _nms(boxes, scores):
    # greedy class-wise NMS, fixed MAXP iterations (jit/vjp friendly)
    scores = jnp.where(scores > CONF_T, scores, 0.0)

    def step(scores_rem, _):
        idx = jnp.argmax(scores_rem)
        best_score = scores_rem[idx]
        best_box = boxes[idx]
        valid = best_score > 0.0
        ious = _iou_one_to_many(best_box, boxes)
        new_scores = jnp.where(ious >= NMST, 0.0, scores_rem)
        out_box = jnp.where(valid, best_box, jnp.zeros_like(best_box))
        out_score = jnp.where(valid, best_score, 0.0)
        return new_scores, (out_box, out_score)

    _, (ob, os) = jax.lax.scan(jax.checkpoint(step), scores, None, length=MAXP)
    return ob, os


def reference(arm_cls, arm_loc, odm_cls, odm_loc, anchors):
    # faithful translation of RefineDetBase.decode
    a_cx, a_cy, a_w, a_h = anchors[:, 0], anchors[:, 1], anchors[:, 2], anchors[:, 3]
    # refined_anchors = locenc2minmax(arm_loc, anchors, variances)
    r_cx, r_cy, r_w, r_h = _decode_loc(arm_loc, a_cx, a_cy, a_w, a_h)
    # ignore anchors whose ARM background confidence >= anchor_refinement_threshold
    ignore = (arm_cls[..., :1] >= ART).astype(jnp.float32)
    odm_cls = odm_cls * (1.0 - ignore)
    # decode ODM loc against the refined anchors
    d_cx, d_cy, d_w, d_h = _decode_loc(odm_loc, r_cx, r_cy, r_w, r_h)
    xmin = jnp.clip(d_cx - d_w * 0.5, 0.0, 1.0)
    ymin = jnp.clip(d_cy - d_h * 0.5, 0.0, 1.0)
    xmax = jnp.clip(d_cx + d_w * 0.5, 0.0, 1.0)
    ymax = jnp.clip(d_cy + d_h * 0.5, 0.0, 1.0)
    boxes = jnp.stack([xmin, ymin, xmax, ymax], axis=-1)  # [B, N, 4]
    cls_scores = odm_cls[..., 1:]  # drop background -> [B, N, C-1]

    def per_image(bxs, scs):
        return jax.vmap(lambda s: _nms(bxs, s))(scs.T)

    ob, os = jax.vmap(per_image)(boxes, cls_scores)  # [B, C-1, MAXP, 4], [B, C-1, MAXP]
    return jnp.concatenate([ob, os[..., None]], axis=-1)

if __name__ == "__main__":
    import jax
    _d = setup_inputs()
    print(jax.jit(kernel)(*tuple(_d.values())))

</pallas_src>

<mosaic_0001>
#map = affine_map<(d0, d1) -> (0, 0)>
module attributes {stable_mosaic.version = 14 : i64} {
  func.func @_sc_compact(%arg0: i32, %arg1: i32, %arg2: memref<20x20000xf32, #tpu.memory_space<hbm>>, %arg3: memref<8x20000xf32, #tpu.memory_space<hbm>>, %arg4: memref<20x1024xf32, #tpu.memory_space<hbm>>, %arg5: memref<20x1024xf32, #tpu.memory_space<hbm>>, %arg6: memref<20x1024xf32, #tpu.memory_space<hbm>>, %arg7: memref<20x1024xf32, #tpu.memory_space<hbm>>, %arg8: memref<20x1024xf32, #tpu.memory_space<hbm>>, %arg9: memref<20000xf32, #tpu.memory_space<vmem>>, %arg10: memref<20000xf32, #tpu.memory_space<vmem>>, %arg11: memref<20000xf32, #tpu.memory_space<vmem>>, %arg12: memref<20000xf32, #tpu.memory_space<vmem>>, %arg13: memref<20000xf32, #tpu.memory_space<vmem>>, %arg14: memref<1024xf32, #tpu.memory_space<vmem>>, %arg15: memref<1024xi32, #tpu.memory_space<vmem>>, %arg16: memref<1024xf32, #tpu.memory_space<vmem>>) attributes {dimension_semantics = [#tpu.dimension_semantics<core_parallel>, #tpu.dimension_semantics<subcore_parallel>], iteration_bounds = array<i64: 2, 16>, scalar_prefetch = 0 : i64, scratch_operands = 8 : i64, tpu.core_type = #tpu.core_type<sc_vector_subcore>, window_params = [{transform_indices = #map}, {transform_indices = #map}, {transform_indices = #map}, {transform_indices = #map}, {transform_indices = #map}, {transform_indices = #map}, {transform_indices = #map}]} {
    %mul3A = arith.constant 16 : i32
    %mul3A_0 = arith.muli %arg0, %mul3A : i32
    %add3A = arith.addi %mul3A_0, %arg1 : i32
    %lt3A = arith.constant 20 : i32
    %lt3A_1 = arith.cmpi slt, %add3A, %lt3A : i32
    %convert_element_type3A = arith.extui %lt3A_1 : i1 to i32
    %cond3A = arith.constant 0 : i32
    %cond3A_2 = arith.cmpi ne, %convert_element_type3A, %cond3A : i32
    scf.if %cond3A_2 {
      "tpu.region"() ({
        %run_scoped3A_54 = tpu.sem_alloc : memref<!tpu.dma_semaphore, #tpu.memory_space<semaphore_mem>>
        %dma_start3A = arith.constant 0 : i32
        %dma_start3A_55 = tpu.memref_slice %arg2[%add3A, %dma_start3A] : memref<20x20000xf32, #tpu.memory_space<hbm>> -> memref<1x20000xf32, #tpu.memory_space<hbm>>
        %dma_start3A_56 = tpu.memref_squeeze %dma_start3A_55 : memref<1x20000xf32, #tpu.memory_space<hbm>> -> memref<20000xf32, #tpu.memory_space<hbm>>
        %dma_start3A_57 = arith.constant 0 : i32
        %dma_start3A_58 = tpu.memref_slice %arg2[%add3A, %dma_start3A_57] : memref<20x20000xf32, #tpu.memory_space<hbm>> -> memref<1x20000xf32, #tpu.memory_space<hbm>>
        %dma_start3A_59 = tpu.memref_squeeze %dma_start3A_58 : memref<1x20000xf32, #tpu.memory_space<hbm>> -> memref<20000xf32, #tpu.memory_space<hbm>>
        tpu.enqueue_dma source(%dma_start3A_59 : memref<20000xf32, #tpu.memory_space<hbm>>) target(%arg9 : memref<20000xf32, #tpu.memory_space<vmem>>) target_semaphore(%run_scoped3A_54 : memref<!tpu.dma_semaphore, #tpu.memory_space<semaphore_mem>>)
        %dma_wait3A = arith.constant 0 : i32
        %dma_wait3A_60 = tpu.memref_slice %arg2[%add3A, %dma_wait3A] : memref<20x20000xf32, #tpu.memory_space<hbm>> -> memref<1x20000xf32, #tpu.memory_space<hbm>>
        %dma_wait3A_61 = tpu.memref_squeeze %dma_wait3A_60 : memref<1x20000xf32, #tpu.memory_space<hbm>> -> memref<20000xf32, #tpu.memory_space<hbm>>
        %dma_wait3A_62 = arith.constant 0 : i32
        %dma_wait3A_63 = tpu.memref_slice %arg2[%add3A, %dma_wait3A_62] : memref<20x20000xf32, #tpu.memory_space<hbm>> -> memref<1x20000xf32, #tpu.memory_space<hbm>>
        %dma_wait3A_64 = tpu.memref_squeeze %dma_wait3A_63 : memref<1x20000xf32, #tpu.memory_space<hbm>> -> memref<20000xf32, #tpu.memory_space<hbm>>
        tpu.wait_dma2 semaphore(%run_scoped3A_54 : memref<!tpu.dma_semaphore, #tpu.memory_space<semaphore_mem>>) src(%dma_wait3A_64 : memref<20000xf32, #tpu.memory_space<hbm>>) dst(%arg9 : memref<20000xf32, #tpu.memory_space<vmem>>)
        tpu.yield
      }) : () -> ()
      %run_scoped3A = arith.constant 0 : i32
      "tpu.region"() ({
        %run_scoped3A_54 = tpu.sem_alloc : memref<!tpu.dma_semaphore, #tpu.memory_space<semaphore_mem>>
        %dma_start3A = arith.constant 0 : i32
        %dma_start3A_55 = tpu.memref_slice %arg3[%run_scoped3A, %dma_start3A] : memref<8x20000xf32, #tpu.memory_space<hbm>> -> memref<1x20000xf32, #tpu.memory_space<hbm>>
        %dma_start3A_56 = tpu.memref_squeeze %dma_start3A_55 : memref<1x20000xf32, #tpu.memory_space<hbm>> -> memref<20000xf32, #tpu.memory_space<hbm>>
        %dma_start3A_57 = arith.constant 0 : i32
        %dma_start3A_58 = tpu.memref_slice %arg3[%run_scoped3A, %dma_start3A_57] : memref<8x20000xf32, #tpu.memory_space<hbm>> -> memref<1x20000xf32, #tpu.memory_space<hbm>>
        %dma_start3A_59 = tpu.memref_squeeze %dma_start3A_58 : memref<1x20000xf32, #tpu.memory_space<hbm>> -> memref<20000xf32, #tpu.memory_space<hbm>>
        tpu.enqueue_dma source(%dma_start3A_59 : memref<20000xf32, #tpu.memory_space<hbm>>) target(%arg10 : memref<20000xf32, #tpu.memory_space<vmem>>) target_semaphore(%run_scoped3A_54 : memref<!tpu.dma_semaphore, #tpu.memory_space<semaphore_mem>>)
        %dma_wait3A = arith.constant 0 : i32
        %dma_wait3A_60 = tpu.memref_slice %arg3[%run_scoped3A, %dma_wait3A] : memref<8x20000xf32, #tpu.memory_space<hbm>> -> memref<1x20000xf32, #tpu.memory_space<hbm>>
        %dma_wait3A_61 = tpu.memref_squeeze %dma_wait3A_60 : memref<1x20000xf32, #tpu.memory_space<hbm>> -> memref<20000xf32, #tpu.memory_space<hbm>>
        %dma_wait3A_62 = arith.constant 0 : i32
        %dma_wait3A_63 = tpu.memref_slice %arg3[%run_scoped3A, %dma_wait3A_62] : memref<8x20000xf32, #tpu.memory_space<hbm>> -> memref<1x20000xf32, #tpu.memory_space<hbm>>
        %dma_wait3A_64 = tpu.memref_squeeze %dma_wait3A_63 : memref<1x20000xf32, #tpu.memory_space<hbm>> -> memref<20000xf32, #tpu.memory_space<hbm>>
        tpu.wait_dma2 semaphore(%run_scoped3A_54 : memref<!tpu.dma_semaphore, #tpu.memory_space<semaphore_mem>>) src(%dma_wait3A_64 : memref<20000xf32, #tpu.memory_space<hbm>>) dst(%arg10 : memref<20000xf32, #tpu.memory_space<vmem>>)
        tpu.yield
      }) : () -> ()
      %run_scoped3A_3 = arith.constant 1 : i32
      "tpu.region"() ({
        %run_scoped3A_54 = tpu.sem_alloc : memref<!tpu.dma_semaphore, #tpu.memory_space<semaphore_mem>>
        %dma_start3A = arith.constant 0 : i32
        %dma_start3A_55 = tpu.memref_slice %arg3[%run_scoped3A_3, %dma_start3A] : memref<8x20000xf32, #tpu.memory_space<hbm>> -> memref<1x20000xf32, #tpu.memory_space<hbm>>
        %dma_start3A_56 = tpu.memref_squeeze %dma_start3A_55 : memref<1x20000xf32, #tpu.memory_space<hbm>> -> memref<20000xf32, #tpu.memory_space<hbm>>
        %dma_start3A_57 = arith.constant 0 : i32
        %dma_start3A_58 = tpu.memref_slice %arg3[%run_scoped3A_3, %dma_start3A_57] : memref<8x20000xf32, #tpu.memory_space<hbm>> -> memref<1x20000xf32, #tpu.memory_space<hbm>>
        %dma_start3A_59 = tpu.memref_squeeze %dma_start3A_58 : memref<1x20000xf32, #tpu.memory_space<hbm>> -> memref<20000xf32, #tpu.memory_space<hbm>>
        tpu.enqueue_dma source(%dma_start3A_59 : memref<20000xf32, #tpu.memory_space<hbm>>) target(%arg11 : memref<20000xf32, #tpu.memory_space<vmem>>) target_semaphore(%run_scoped3A_54 : memref<!tpu.dma_semaphore, #tpu.memory_space<semaphore_mem>>)
        %dma_wait3A = arith.constant 0 : i32
        %dma_wait3A_60 = tpu.memref_slice %arg3[%run_scoped3A_3, %dma_wait3A] : memref<8x20000xf32, #tpu.memory_space<hbm>> -> memref<1x20000xf32, #tpu.memory_space<hbm>>
        %dma_wait3A_61 = tpu.memref_squeeze %dma_wait3A_60 : memref<1x20000xf32, #tpu.memory_space<hbm>> -> memref<20000xf32, #tpu.memory_space<hbm>>
        %dma_wait3A_62 = arith.constant 0 : i32
        %dma_wait3A_63 = tpu.memref_slice %arg3[%run_scoped3A_3, %dma_wait3A_62] : memref<8x20000xf32, #tpu.memory_space<hbm>> -> memref<1x20000xf32, #tpu.memory_space<hbm>>
        %dma_wait3A_64 = tpu.memref_squeeze %dma_wait3A_63 : memref<1x20000xf32, #tpu.memory_space<hbm>> -> memref<20000xf32, #tpu.memory_space<hbm>>
        tpu.wait_dma2 semaphore(%run_scoped3A_54 : memref<!tpu.dma_semaphore, #tpu.memory_space<semaphore_mem>>) src(%dma_wait3A_64 : memref<20000xf32, #tpu.memory_space<hbm>>) dst(%arg11 : memref<20000xf32, #tpu.memory_space<vmem>>)
        tpu.yield
      }) : () -> ()
      %run_scoped3A_4 = arith.constant 2 : i32
      "tpu.region"() ({
        %run_scoped3A_54 = tpu.sem_alloc : memref<!tpu.dma_semaphore, #tpu.memory_space<semaphore_mem>>
        %dma_start3A = arith.constant 0 : i32
        %dma_start3A_55 = tpu.memref_slice %arg3[%run_scoped3A_4, %dma_start3A] : memref<8x20000xf32, #tpu.memory_space<hbm>> -> memref<1x20000xf32, #tpu.memory_space<hbm>>
        %dma_start3A_56 = tpu.memref_squeeze %dma_start3A_55 : memref<1x20000xf32, #tpu.memory_space<hbm>> -> memref<20000xf32, #tpu.memory_space<hbm>>
        %dma_start3A_57 = arith.constant 0 : i32
        %dma_start3A_58 = tpu.memref_slice %arg3[%run_scoped3A_4, %dma_start3A_57] : memref<8x20000xf32, #tpu.memory_space<hbm>> -> memref<1x20000xf32, #tpu.memory_space<hbm>>
        %dma_start3A_59 = tpu.memref_squeeze %dma_start3A_58 : memref<1x20000xf32, #tpu.memory_space<hbm>> -> memref<20000xf32, #tpu.memory_space<hbm>>
        tpu.enqueue_dma source(%dma_start3A_59 : memref<20000xf32, #tpu.memory_space<hbm>>) target(%arg12 : memref<20000xf32, #tpu.memory_space<vmem>>) target_semaphore(%run_scoped3A_54 : memref<!tpu.dma_semaphore, #tpu.memory_space<semaphore_mem>>)
        %dma_wait3A = arith.constant 0 : i32
        %dma_wait3A_60 = tpu.memref_slice %arg3[%run_scoped3A_4, %dma_wait3A] : memref<8x20000xf32, #tpu.memory_space<hbm>> -> memref<1x20000xf32, #tpu.memory_space<hbm>>
        %dma_wait3A_61 = tpu.memref_squeeze %dma_wait3A_60 : memref<1x20000xf32, #tpu.memory_space<hbm>> -> memref<20000xf32, #tpu.memory_space<hbm>>
        %dma_wait3A_62 = arith.constant 0 : i32
        %dma_wait3A_63 = tpu.memref_slice %arg3[%run_scoped3A_4, %dma_wait3A_62] : memref<8x20000xf32, #tpu.memory_space<hbm>> -> memref<1x20000xf32, #tpu.memory_space<hbm>>
        %dma_wait3A_64 = tpu.memref_squeeze %dma_wait3A_63 : memref<1x20000xf32, #tpu.memory_space<hbm>> -> memref<20000xf32, #tpu.memory_space<hbm>>
        tpu.wait_dma2 semaphore(%run_scoped3A_54 : memref<!tpu.dma_semaphore, #tpu.memory_space<semaphore_mem>>) src(%dma_wait3A_64 : memref<20000xf32, #tpu.memory_space<hbm>>) dst(%arg12 : memref<20000xf32, #tpu.memory_space<vmem>>)
        tpu.yield
      }) : () -> ()
      %run_scoped3A_5 = arith.constant 3 : i32
      "tpu.region"() ({
        %run_scoped3A_54 = tpu.sem_alloc : memref<!tpu.dma_semaphore, #tpu.memory_space<semaphore_mem>>
        %dma_start3A = arith.constant 0 : i32
        %dma_start3A_55 = tpu.memref_slice %arg3[%run_scoped3A_5, %dma_start3A] : memref<8x20000xf32, #tpu.memory_space<hbm>> -> memref<1x20000xf32, #tpu.memory_space<hbm>>
        %dma_start3A_56 = tpu.memref_squeeze %dma_start3A_55 : memref<1x20000xf32, #tpu.memory_space<hbm>> -> memref<20000xf32, #tpu.memory_space<hbm>>
        %dma_start3A_57 = arith.constant 0 : i32
        %dma_start3A_58 = tpu.memref_slice %arg3[%run_scoped3A_5, %dma_start3A_57] : memref<8x20000xf32, #tpu.memory_space<hbm>> -> memref<1x20000xf32, #tpu.memory_space<hbm>>
        %dma_start3A_59 = tpu.memref_squeeze %dma_start3A_58 : memref<1x20000xf32, #tpu.memory_space<hbm>> -> memref<20000xf32, #tpu.memory_space<hbm>>
        tpu.enqueue_dma source(%dma_start3A_59 : memref<20000xf32, #tpu.memory_space<hbm>>) target(%arg13 : memref<20000xf32, #tpu.memory_space<vmem>>) target_semaphore(%run_scoped3A_54 : memref<!tpu.dma_semaphore, #tpu.memory_space<semaphore_mem>>)
        %dma_wait3A = arith.constant 0 : i32
        %dma_wait3A_60 = tpu.memref_slice %arg3[%run_scoped3A_5, %dma_wait3A] : memref<8x20000xf32, #tpu.memory_space<hbm>> -> memref<1x20000xf32, #tpu.memory_space<hbm>>
        %dma_wait3A_61 = tpu.memref_squeeze %dma_wait3A_60 : memref<1x20000xf32, #tpu.memory_space<hbm>> -> memref<20000xf32, #tpu.memory_space<hbm>>
        %dma_wait3A_62 = arith.constant 0 : i32
        %dma_wait3A_63 = tpu.memref_slice %arg3[%run_scoped3A_5, %dma_wait3A_62] : memref<8x20000xf32, #tpu.memory_space<hbm>> -> memref<1x20000xf32, #tpu.memory_space<hbm>>
        %dma_wait3A_64 = tpu.memref_squeeze %dma_wait3A_63 : memref<1x20000xf32, #tpu.memory_space<hbm>> -> memref<20000xf32, #tpu.memory_space<hbm>>
        tpu.wait_dma2 semaphore(%run_scoped3A_54 : memref<!tpu.dma_semaphore, #tpu.memory_space<semaphore_mem>>) src(%dma_wait3A_64 : memref<20000xf32, #tpu.memory_space<hbm>>) dst(%arg13 : memref<20000xf32, #tpu.memory_space<vmem>>)
        tpu.yield
      }) : () -> ()
      %broadcast_in_dim3A = arith.constant 0.000000e+00 : f32
      %broadcast_in_dim3A_6 = vector.broadcast %broadcast_in_dim3A : f32 to vector<16xf32>
      %broadcast_in_dim3A_7 = arith.constant 0 : i32
      %broadcast_in_dim3A_8 = vector.broadcast %broadcast_in_dim3A_7 : i32 to vector<16xi32>
      %scan3A = arith.constant 0 : i32
      %scan3A_9 = arith.constant 0 : i32
      %scan3A_10 = arith.constant 64 : i32
      %scan3A_11 = arith.addi %scan3A_9, %scan3A_10 : i32
      %scan3A_12 = arith.constant 1 : i32
      %scan3A_13 = scf.for %scan3A_54 = %scan3A_9 to %scan3A_11 step %scan3A_12 iter_args(%scan3A_55 = %scan3A) -> (i32)  : i32 {
        %mul3A_56 = arith.constant 16 : i32
        %mul3A_57 = arith.muli %scan3A_54, %mul3A_56 : i32
        %swap3A = arith.index_cast %mul3A_57 : i32 to index
        %swap3A_58 = tpu.vector_load %arg14[%swap3A] {strides = array<i32>} : memref<1024xf32, #tpu.memory_space<vmem>>, vector<16xf32>,
        tpu.vector_store %arg14[%swap3A], %broadcast_in_dim3A_6 {strides = array<i32>} : memref<1024xf32, #tpu.memory_space<vmem>>, vector<16xf32>,
        %mul3A_59 = arith.constant 16 : i32
        %mul3A_60 = arith.muli %scan3A_54, %mul3A_59 : i32
        %swap3A_61 = arith.index_cast %mul3A_60 : i32 to index
        %swap3A_62 = tpu.vector_load %arg15[%swap3A_61] {strides = array<i32>} : memref<1024xi32, #tpu.memory_space<vmem>>, vector<16xi32>,
        tpu.vector_store %arg15[%swap3A_61], %broadcast_in_dim3A_8 {strides = array<i32>} : memref<1024xi32, #tpu.memory_space<vmem>>, vector<16xi32>,
        %scan3A_63 = arith.constant 0 : i32
        scf.yield %scan3A_63 : i32
      }
      %scan3A_14 = arith.constant 64 : i32
      %iota3A = tpu.iota {dimensions = array<i32: 0>} : vector<16xi32>
      %scan3A_15 = arith.constant 0 : i32
      %scan3A_16 = arith.constant 0 : i32
      %scan3A_17 = arith.constant 250 : i32
      %scan3A_18 = arith.addi %scan3A_16, %scan3A_17 : i32
      %scan3A_19 = arith.constant 1 : i32
      %scan3A_20 = scf.for %scan3A_54 = %scan3A_16 to %scan3A_18 step %scan3A_19 iter_args(%scan3A_55 = %scan3A_15) -> (i32)  : i32 {
        %mul3A_56 = arith.constant 5 : i32
        %mul3A_57 = arith.muli %scan3A_54, %mul3A_56 : i32
        %add3A_58 = arith.constant 0 : i32
        %add3A_59 = arith.addi %mul3A_57, %add3A_58 : i32
        %mul3A_60 = arith.constant 16 : i32
        %mul3A_61 = arith.muli %add3A_59, %mul3A_60 : i32
        %get3A = arith.index_cast %mul3A_61 : i32 to index
        %get3A_62 = tpu.vector_load %arg9[%get3A] {strides = array<i32>} : memref<20000xf32, #tpu.memory_space<vmem>>, vector<16xf32>,
        %gt3A_63 = arith.constant 0.959999978 : f32
        %gt3A_64 = vector.broadcast %gt3A_63 : f32 to vector<16xf32>
        %gt3A_65 = arith.cmpf ogt, %get3A_62, %gt3A_64 : vector<16xf32>
        %broadcast_in_dim3A_66 = arith.constant 1 : i32
        %broadcast_in_dim3A_67 = vector.broadcast %broadcast_in_dim3A_66 : i32 to vector<16xi32>
        %broadcast_in_dim3A_68 = arith.constant 0 : i32
        %broadcast_in_dim3A_69 = vector.broadcast %broadcast_in_dim3A_68 : i32 to vector<16xi32>
        %select_n3A = arith.select %gt3A_65, %broadcast_in_dim3A_67, %broadcast_in_dim3A_69 : vector<16xi1>, vector<16xi32>
        %reduce_sum3A = arith.constant true
        %reduce_sum3A_70 = vector.broadcast %reduce_sum3A : i1 to vector<16xi1>
        %reduce_sum3A_71 = tpu.scan <sum>, %select_n3A masked %reduce_sum3A_70 : vector<16xi32>, vector<16xi1> -> vector<16xi32>
        %reduce_sum3A_72 = vector.extract %reduce_sum3A_71[15] : i32 from vector<16xi32>
        %min3A = arith.constant 1008 : i32
        %min3A_73 = arith.minsi %scan3A_55, %min3A : i32
        %swap3A = arith.index_cast %min3A_73 : i32 to index
        %swap3A_74 = tpu.vector_load %arg14[%swap3A] masked %gt3A_65 {strides = array<i32>} : memref<1024xf32, #tpu.memory_space<vmem>>, vector<16xf32>, vector<16xi1>
        tpu.vector_store %arg14[%swap3A], %get3A_62 masked %gt3A_65 {strides = array<i32>} : memref<1024xf32, #tpu.memory_space<vmem>>, vector<16xf32>, vector<16xi1>
        %mul3A_75 = arith.constant 16 : i32
        %mul3A_76 = arith.muli %add3A_59, %mul3A_75 : i32
        %add3A_77 = vector.broadcast %mul3A_76 : i32 to vector<16xi32>
        %add3A_78 = arith.addi %iota3A, %add3A_77 : vector<16xi32>
        %swap3A_79 = arith.index_cast %min3A_73 : i32 to index
        %swap3A_80 = tpu.vector_load %arg15[%swap3A_79] masked %gt3A_65 {strides = array<i32>} : memref<1024xi32, #tpu.memory_space<vmem>>, vector<16xi32>, vector<16xi1>
        tpu.vector_store %arg15[%swap3A_79], %add3A_78 masked %gt3A_65 {strides = array<i32>} : memref<1024xi32, #tpu.memory_space<vmem>>, vector<16xi32>, vector<16xi1>
        %add3A_81 = arith.addi %scan3A_55, %reduce_sum3A_72 : i32
        %mul3A_82 = arith.constant 5 : i32
        %mul3A_83 = arith.muli %scan3A_54, %mul3A_82 : i32
        %add3A_84 = arith.constant 1 : i32
        %add3A_85 = arith.addi %mul3A_83, %add3A_84 : i32
        %mul3A_86 = arith.constant 16 : i32
        %mul3A_87 = arith.muli %add3A_85, %mul3A_86 : i32
        %get3A_88 = arith.index_cast %mul3A_87 : i32 to index
        %get3A_89 = tpu.vector_load %arg9[%get3A_88] {strides = array<i32>} : memref<20000xf32, #tpu.memory_space<vmem>>, vector<16xf32>,
        %gt3A_90 = arith.constant 0.959999978 : f32
        %gt3A_91 = vector.broadcast %gt3A_90 : f32 to vector<16xf32>
        %gt3A_92 = arith.cmpf ogt, %get3A_89, %gt3A_91 : vector<16xf32>
        %broadcast_in_dim3A_93 = arith.constant 1 : i32
        %broadcast_in_dim3A_94 = vector.broadcast %broadcast_in_dim3A_93 : i32 to vector<16xi32>
        %broadcast_in_dim3A_95 = arith.constant 0 : i32
        %broadcast_in_dim3A_96 = vector.broadcast %broadcast_in_dim3A_95 : i32 to vector<16xi32>
        %select_n3A_97 = arith.select %gt3A_92, %broadcast_in_dim3A_94, %broadcast_in_dim3A_96 : vector<16xi1>, vector<16xi32>
        %reduce_sum3A_98 = arith.constant true
        %reduce_sum3A_99 = vector.broadcast %reduce_sum3A_98 : i1 to vector<16xi1>
        %reduce_sum3A_100 = tpu.scan <sum>, %select_n3A_97 masked %reduce_sum3A_99 : vector<16xi32>, vector<16xi1> -> vector<16xi32>
        %reduce_sum3A_101 = vector.extract %reduce_sum3A_100[15] : i32 from vector<16xi32>
        %min3A_102 = arith.constant 1008 : i32
        %min3A_103 = arith.minsi %add3A_81, %min3A_102 : i32
        %swap3A_104 = arith.index_cast %min3A_103 : i32 to index
        %swap3A_105 = tpu.vector_load %arg14[%swap3A_104] masked %gt3A_92 {strides = array<i32>} : memref<1024xf32, #tpu.memory_space<vmem>>, vector<16xf32>, vector<16xi1>
        tpu.vector_store %arg14[%swap3A_104], %get3A_89 masked %gt3A_92 {strides = array<i32>} : memref<1024xf32, #tpu.memory_space<vmem>>, vector<16xf32>, vector<16xi1>
        %mul3A_106 = arith.constant 16 : i32
        %mul3A_107 = arith.muli %add3A_85, %mul3A_106 : i32
        %add3A_108 = vector.broadcast %mul3A_107 : i32 to vector<16xi32>
        %add3A_109 = arith.addi %iota3A, %add3A_108 : vector<16xi32>
        %swap3A_110 = arith.index_cast %min3A_103 : i32 to index
        %swap3A_111 = tpu.vector_load %arg15[%swap3A_110] masked %gt3A_92 {strides = array<i32>} : memref<1024xi32, #tpu.memory_space<vmem>>, vector<16xi32>, vector<16xi1>
        tpu.vector_store %arg15[%swap3A_110], %add3A_109 masked %gt3A_92 {strides = array<i32>} : memref<1024xi32, #tpu.memory_space<vmem>>, vector<16xi32>, vector<16xi1>
        %add3A_112 = arith.addi %add3A_81, %reduce_sum3A_101 : i32
        %mul3A_113 = arith.constant 5 : i32
        %mul3A_114 = arith.muli %scan3A_54, %mul3A_113 : i32
        %add3A_115 = arith.constant 2 : i32
        %add3A_116 = arith.addi %mul3A_114, %add3A_115 : i32
        %mul3A_117 = arith.constant 16 : i32
        %mul3A_118 = arith.muli %add3A_116, %mul3A_117 : i32
        %get3A_119 = arith.index_cast %mul3A_118 : i32 to index
        %get3A_120 = tpu.vector_load %arg9[%get3A_119] {strides = array<i32>} : memref<20000xf32, #tpu.memory_space<vmem>>, vector<16xf32>,
        %gt3A_121 = arith.constant 0.959999978 : f32
        %gt3A_122 = vector.broadcast %gt3A_121 : f32 to vector<16xf32>
        %gt3A_123 = arith.cmpf ogt, %get3A_120, %gt3A_122 : vector<16xf32>
        %broadcast_in_dim3A_124 = arith.constant 1 : i32
        %broadcast_in_dim3A_125 = vector.broadcast %broadcast_in_dim3A_124 : i32 to vector<16xi32>
        %broadcast_in_dim3A_126 = arith.constant 0 : i32
        %broadcast_in_dim3A_127 = vector.broadcast %broadcast_in_dim3A_126 : i32 to vector<16xi32>
        %select_n3A_128 = arith.select %gt3A_123, %broadcast_in_dim3A_125, %broadcast_in_dim3A_127 : vector<16xi1>, vector<16xi32>
        %reduce_sum3A_129 = arith.constant true
        %reduce_sum3A_130 = vector.broadcast %reduce_sum3A_129 : i1 to vector<16xi1>
        %reduce_sum3A_131 = tpu.scan <sum>, %select_n3A_128 masked %reduce_sum3A_130 : vector<16xi32>, vector<16xi1> -> vector<16xi32>
        %reduce_sum3A_132 = vector.extract %reduce_sum3A_131[15] : i32 from vector<16xi32>
        %min3A_133 = arith.constant 1008 : i32
        %min3A_134 = arith.minsi %add3A_112, %min3A_133 : i32
        %swap3A_135 = arith.index_cast %min3A_134 : i32 to index
        %swap3A_136 = tpu.vector_load %arg14[%swap3A_135] masked %gt3A_123 {strides = array<i32>} : memref<1024xf32, #tpu.memory_space<vmem>>, vector<16xf32>, vector<16xi1>
        tpu.vector_store %arg14[%swap3A_135], %get3A_120 masked %gt3A_123 {strides = array<i32>} : memref<1024xf32, #tpu.memory_space<vmem>>, vector<16xf32>, vector<16xi1>
        %mul3A_137 = arith.constant 16 : i32
        %mul3A_138 = arith.muli %add3A_116, %mul3A_137 : i32
        %add3A_139 = vector.broadcast %mul3A_138 : i32 to vector<16xi32>
        %add3A_140 = arith.addi %iota3A, %add3A_139 : vector<16xi32>
        %swap3A_141 = arith.index_cast %min3A_134 : i32 to index
        %swap3A_142 = tpu.vector_load %arg15[%swap3A_141] masked %gt3A_123 {strides = array<i32>} : memref<1024xi32, #tpu.memory_space<vmem>>, vector<16xi32>, vector<16xi1>
        tpu.vector_store %arg15[%swap3A_141], %add3A_140 masked %gt3A_123 {strides = array<i32>} : memref<1024xi32, #tpu.memory_space<vmem>>, vector<16xi32>, vector<16xi1>
        %add3A_143 = arith.addi %add3A_112, %reduce_sum3A_132 : i32
        %mul3A_144 = arith.constant 5 : i32
        %mul3A_145 = arith.muli %scan3A_54, %mul3A_144 : i32
        %add3A_146 = arith.constant 3 : i32
        %add3A_147 = arith.addi %mul3A_145, %add3A_146 : i32
        %mul3A_148 = arith.constant 16 : i32
        %mul3A_149 = arith.muli %add3A_147, %mul3A_148 : i32
        %get3A_150 = arith.index_cast %mul3A_149 : i32 to index
        %get3A_151 = tpu.vector_load %arg9[%get3A_150] {strides = array<i32>} : memref<20000xf32, #tpu.memory_space<vmem>>, vector<16xf32>,
        %gt3A_152 = arith.constant 0.959999978 : f32
        %gt3A_153 = vector.broadcast %gt3A_152 : f32 to vector<16xf32>
        %gt3A_154 = arith.cmpf ogt, %get3A_151, %gt3A_153 : vector<16xf32>
        %broadcast_in_dim3A_155 = arith.constant 1 : i32
        %broadcast_in_dim3A_156 = vector.broadcast %broadcast_in_dim3A_155 : i32 to vector<16xi32>
        %broadcast_in_dim3A_157 = arith.constant 0 : i32
        %broadcast_in_dim3A_158 = vector.broadcast %broadcast_in_dim3A_157 : i32 to vector<16xi32>
        %select_n3A_159 = arith.select %gt3A_154, %broadcast_in_dim3A_156, %broadcast_in_dim3A_158 : vector<16xi1>, vector<16xi32>
        %reduce_sum3A_160 = arith.constant true
        %reduce_sum3A_161 = vector.broadcast %reduce_sum3A_160 : i1 to vector<16xi1>
        %reduce_sum3A_162 = tpu.scan <sum>, %select_n3A_159 masked %reduce_sum3A_161 : vector<16xi32>, vector<16xi1> -> vector<16xi32>
        %reduce_sum3A_163 = vector.extract %reduce_sum3A_162[15] : i32 from vector<16xi32>
        %min3A_164 = arith.constant 1008 : i32
        %min3A_165 = arith.minsi %add3A_143, %min3A_164 : i32
        %swap3A_166 = arith.index_cast %min3A_165 : i32 to index
        %swap3A_167 = tpu.vector_load %arg14[%swap3A_166] masked %gt3A_154 {strides = array<i32>} : memref<1024xf32, #tpu.memory_space<vmem>>, vector<16xf32>, vector<16xi1>
        tpu.vector_store %arg14[%swap3A_166], %get3A_151 masked %gt3A_154 {strides = array<i32>} : memref<1024xf32, #tpu.memory_space<vmem>>, vector<16xf32>, vector<16xi1>
        %mul3A_168 = arith.constant 16 : i32
        %mul3A_169 = arith.muli %add3A_147, %mul3A_168 : i32
        %add3A_170 = vector.broadcast %mul3A_169 : i32 to vector<16xi32>
        %add3A_171 = arith.addi %iota3A, %add3A_170 : vector<16xi32>
        %swap3A_172 = arith.index_cast %min3A_165 : i32 to index
        %swap3A_173 = tpu.vector_load %arg15[%swap3A_172] masked %gt3A_154 {strides = array<i32>} : memref<1024xi32, #tpu.memory_space<vmem>>, vector<16xi32>, vector<16xi1>
        tpu.vector_store %arg15[%swap3A_172], %add3A_171 masked %gt3A_154 {strides = array<i32>} : memref<1024xi32, #tpu.memory_space<vmem>>, vector<16xi32>, vector<16xi1>
        %add3A_174 = arith.addi %add3A_143, %reduce_sum3A_163 : i32
        %mul3A_175 = arith.constant 5 : i32
        %mul3A_176 = arith.muli %scan3A_54, %mul3A_175 : i32
        %add3A_177 = arith.constant 4 : i32
        %add3A_178 = arith.addi %mul3A_176, %add3A_177 : i32
        %mul3A_179 = arith.constant 16 : i32
        %mul3A_180 = arith.muli %add3A_178, %mul3A_179 : i32
        %get3A_181 = arith.index_cast %mul3A_180 : i32 to index
        %get3A_182 = tpu.vector_load %arg9[%get3A_181] {strides = array<i32>} : memref<20000xf32, #tpu.memory_space<vmem>>, vector<16xf32>,
        %gt3A_183 = arith.constant 0.959999978 : f32
        %gt3A_184 = vector.broadcast %gt3A_183 : f32 to vector<16xf32>
        %gt3A_185 = arith.cmpf ogt, %get3A_182, %gt3A_184 : vector<16xf32>
        %broadcast_in_dim3A_186 = arith.constant 1 : i32
        %broadcast_in_dim3A_187 = vector.broadcast %broadcast_in_dim3A_186 : i32 to vector<16xi32>
        %broadcast_in_dim3A_188 = arith.constant 0 : i32
        %broadcast_in_dim3A_189 = vector.broadcast %broadcast_in_dim3A_188 : i32 to vector<16xi32>
        %select_n3A_190 = arith.select %gt3A_185, %broadcast_in_dim3A_187, %broadcast_in_dim3A_189 : vector<16xi1>, vector<16xi32>
        %reduce_sum3A_191 = arith.constant true
        %reduce_sum3A_192 = vector.broadcast %reduce_sum3A_191 : i1 to vector<16xi1>
        %reduce_sum3A_193 = tpu.scan <sum>, %select_n3A_190 masked %reduce_sum3A_192 : vector<16xi32>, vector<16xi1> -> vector<16xi32>
        %reduce_sum3A_194 = vector.extract %reduce_sum3A_193[15] : i32 from vector<16xi32>
        %min3A_195 = arith.constant 1008 : i32
        %min3A_196 = arith.minsi %add3A_174, %min3A_195 : i32
        %swap3A_197 = arith.index_cast %min3A_196 : i32 to index
        %swap3A_198 = tpu.vector_load %arg14[%swap3A_197] masked %gt3A_185 {strides = array<i32>} : memref<1024xf32, #tpu.memory_space<vmem>>, vector<16xf32>, vector<16xi1>
        tpu.vector_store %arg14[%swap3A_197], %get3A_182 masked %gt3A_185 {strides = array<i32>} : memref<1024xf32, #tpu.memory_space<vmem>>, vector<16xf32>, vector<16xi1>
        %mul3A_199 = arith.constant 16 : i32
        %mul3A_200 = arith.muli %add3A_178, %mul3A_199 : i32
        %add3A_201 = vector.broadcast %mul3A_200 : i32 to vector<16xi32>
        %add3A_202 = arith.addi %iota3A, %add3A_201 : vector<16xi32>
        %swap3A_203 = arith.index_cast %min3A_196 : i32 to index
        %swap3A_204 = tpu.vector_load %arg15[%swap3A_203] masked %gt3A_185 {strides = array<i32>} : memref<1024xi32, #tpu.memory_space<vmem>>, vector<16xi32>, vector<16xi1>
        tpu.vector_store %arg15[%swap3A_203], %add3A_202 masked %gt3A_185 {strides = array<i32>} : memref<1024xi32, #tpu.memory_space<vmem>>, vector<16xi32>, vector<16xi1>
        %add3A_205 = arith.addi %add3A_174, %reduce_sum3A_194 : i32
        scf.yield %add3A_205 : i32
      }
      %scan3A_21 = arith.constant 250 : i32
      %gt3A = arith.constant 1008 : i32
      %gt3A_22 = arith.cmpi sgt, %scan3A_20, %gt3A : i32
      %convert_element_type3A_23 = arith.extui %gt3A_22 : i1 to i32
      %cond3A_24 = arith.constant 0 : i32
      %cond3A_25 = arith.cmpi ne, %convert_element_type3A_23, %cond3A_24 : i32
      scf.if %cond3A_25 {
        %scan3A_54 = arith.constant 0 : i32
        %scan3A_55 = arith.constant 0 : i32
        %scan3A_56 = arith.constant 64 : i32
        %scan3A_57 = arith.addi %scan3A_55, %scan3A_56 : i32
        %scan3A_58 = arith.constant 1 : i32
        %scan3A_59 = scf.for %scan3A_61 = %scan3A_55 to %scan3A_57 step %scan3A_58 iter_args(%scan3A_62 = %scan3A_54) -> (i32)  : i32 {
          %mul3A_63 = arith.constant 16 : i32
          %mul3A_64 = arith.muli %scan3A_61, %mul3A_63 : i32
          %swap3A = arith.index_cast %mul3A_64 : i32 to index
          %swap3A_65 = tpu.vector_load %arg14[%swap3A] {strides = array<i32>} : memref<1024xf32, #tpu.memory_space<vmem>>, vector<16xf32>,
          tpu.vector_store %arg14[%swap3A], %broadcast_in_dim3A_6 {strides = array<i32>} : memref<1024xf32, #tpu.memory_space<vmem>>, vector<16xf32>,
          %mul3A_66 = arith.constant 16 : i32
          %mul3A_67 = arith.muli %scan3A_61, %mul3A_66 : i32
          %swap3A_68 = arith.index_cast %mul3A_67 : i32 to index
          %swap3A_69 = tpu.vector_load %arg15[%swap3A_68] {strides = array<i32>} : memref<1024xi32, #tpu.memory_space<vmem>>, vector<16xi32>,
          tpu.vector_store %arg15[%swap3A_68], %broadcast_in_dim3A_8 {strides = array<i32>} : memref<1024xi32, #tpu.memory_space<vmem>>, vector<16xi32>,
          %scan3A_70 = arith.constant 0 : i32
          scf.yield %scan3A_70 : i32
        }
        %scan3A_60 = arith.constant 64 : i32
      } else {
      }
      "tpu.region"() ({
        %run_scoped3A_54 = tpu.sem_alloc : memref<!tpu.dma_semaphore, #tpu.memory_space<semaphore_mem>>
        %dma_start3A = arith.constant 0 : i32
        %dma_start3A_55 = tpu.memref_slice %arg4[%add3A, %dma_start3A] : memref<20x1024xf32, #tpu.memory_space<hbm>> -> memref<1x1024xf32, #tpu.memory_space<hbm>>
        %dma_start3A_56 = tpu.memref_squeeze %dma_start3A_55 : memref<1x1024xf32, #tpu.memory_space<hbm>> -> memref<1024xf32, #tpu.memory_space<hbm>>
        %dma_start3A_57 = arith.constant 0 : i32
        %dma_start3A_58 = tpu.memref_slice %arg4[%add3A, %dma_start3A_57] : memref<20x1024xf32, #tpu.memory_space<hbm>> -> memref<1x1024xf32, #tpu.memory_space<hbm>>
        %dma_start3A_59 = tpu.memref_squeeze %dma_start3A_58 : memref<1x1024xf32, #tpu.memory_space<hbm>> -> memref<1024xf32, #tpu.memory_space<hbm>>
        tpu.enqueue_dma source(%arg14 : memref<1024xf32, #tpu.memory_space<vmem>>) target(%dma_start3A_59 : memref<1024xf32, #tpu.memory_space<hbm>>) target_semaphore(%run_scoped3A_54 : memref<!tpu.dma_semaphore, #tpu.memory_space<semaphore_mem>>)
        %dma_wait3A = arith.constant 0 : i32
        %dma_wait3A_60 = tpu.memref_slice %arg4[%add3A, %dma_wait3A] : memref<20x1024xf32, #tpu.memory_space<hbm>> -> memref<1x1024xf32, #tpu.memory_space<hbm>>
        %dma_wait3A_61 = tpu.memref_squeeze %dma_wait3A_60 : memref<1x1024xf32, #tpu.memory_space<hbm>> -> memref<1024xf32, #tpu.memory_space<hbm>>
        %dma_wait3A_62 = arith.constant 0 : i32
        %dma_wait3A_63 = tpu.memref_slice %arg4[%add3A, %dma_wait3A_62] : memref<20x1024xf32, #tpu.memory_space<hbm>> -> memref<1x1024xf32, #tpu.memory_space<hbm>>
        %dma_wait3A_64 = tpu.memref_squeeze %dma_wait3A_63 : memref<1x1024xf32, #tpu.memory_space<hbm>> -> memref<1024xf32, #tpu.memory_space<hbm>>
        tpu.wait_dma2 semaphore(%run_scoped3A_54 : memref<!tpu.dma_semaphore, #tpu.memory_space<semaphore_mem>>) src(%arg14 : memref<1024xf32, #tpu.memory_space<vmem>>) dst(%dma_wait3A_64 : memref<1024xf32, #tpu.memory_space<hbm>>)
        tpu.yield
      }) : () -> ()
      %scan3A_26 = arith.constant 0 : i32
      %scan3A_27 = arith.constant 0 : i32
      %scan3A_28 = arith.constant 64 : i32
      %scan3A_29 = arith.addi %scan3A_27, %scan3A_28 : i32
      %scan3A_30 = arith.constant 1 : i32
      %scan3A_31 = scf.for %scan3A_54 = %scan3A_27 to %scan3A_29 step %scan3A_30 iter_args(%scan3A_55 = %scan3A_26) -> (i32)  : i32 {
        %mul3A_56 = arith.constant 16 : i32
        %mul3A_57 = arith.muli %scan3A_54, %mul3A_56 : i32
        %get3A = arith.index_cast %mul3A_57 : i32 to index
        %get3A_58 = tpu.vector_load %arg15[%get3A] {strides = array<i32>} : memref<1024xi32, #tpu.memory_space<vmem>>, vector<16xi32>,
        %gather3A = tpu.vector_load_idx %arg10[%get3A_58] : memref<20000xf32, #tpu.memory_space<vmem>>[vector<16xi32>], vector<16xf32>,
        %mul3A_59 = arith.constant 16 : i32
        %mul3A_60 = arith.muli %scan3A_54, %mul3A_59 : i32
        %swap3A = arith.index_cast %mul3A_60 : i32 to index
        %swap3A_61 = tpu.vector_load %arg16[%swap3A] {strides = array<i32>} : memref<1024xf32, #tpu.memory_space<vmem>>, vector<16xf32>,
        tpu.vector_store %arg16[%swap3A], %gather3A {strides = array<i32>} : memref<1024xf32, #tpu.memory_space<vmem>>, vector<16xf32>,
        %scan3A_62 = arith.constant 0 : i32
        scf.yield %scan3A_62 : i32
      }
      %scan3A_32 = arith.constant 64 : i32
      "tpu.region"() ({
        %run_scoped3A_54 = tpu.sem_alloc : memref<!tpu.dma_semaphore, #tpu.memory_space<semaphore_mem>>
        %dma_start3A = arith.constant 0 : i32
        %dma_start3A_55 = tpu.memref_slice %arg5[%add3A, %dma_start3A] : memref<20x1024xf32, #tpu.memory_space<hbm>> -> memref<1x1024xf32, #tpu.memory_space<hbm>>
        %dma_start3A_56 = tpu.memref_squeeze %dma_start3A_55 : memref<1x1024xf32, #tpu.memory_space<hbm>> -> memref<1024xf32, #tpu.memory_space<hbm>>
        %dma_start3A_57 = arith.constant 0 : i32
        %dma_start3A_58 = tpu.memref_slice %arg5[%add3A, %dma_start3A_57] : memref<20x1024xf32, #tpu.memory_space<hbm>> -> memref<1x1024xf32, #tpu.memory_space<hbm>>
        %dma_start3A_59 = tpu.memref_squeeze %dma_start3A_58 : memref<1x1024xf32, #tpu.memory_space<hbm>> -> memref<1024xf32, #tpu.memory_space<hbm>>
        tpu.enqueue_dma source(%arg16 : memref<1024xf32, #tpu.memory_space<vmem>>) target(%dma_start3A_59 : memref<1024xf32, #tpu.memory_space<hbm>>) target_semaphore(%run_scoped3A_54 : memref<!tpu.dma_semaphore, #tpu.memory_space<semaphore_mem>>)
        %dma_wait3A = arith.constant 0 : i32
        %dma_wait3A_60 = tpu.memref_slice %arg5[%add3A, %dma_wait3A] : memref<20x1024xf32, #tpu.memory_space<hbm>> -> memref<1x1024xf32, #tpu.memory_space<hbm>>
        %dma_wait3A_61 = tpu.memref_squeeze %dma_wait3A_60 : memref<1x1024xf32, #tpu.memory_space<hbm>> -> memref<1024xf32, #tpu.memory_space<hbm>>
        %dma_wait3A_62 = arith.constant 0 : i32
        %dma_wait3A_63 = tpu.memref_slice %arg5[%add3A, %dma_wait3A_62] : memref<20x1024xf32, #tpu.memory_space<hbm>> -> memref<1x1024xf32, #tpu.memory_space<hbm>>
        %dma_wait3A_64 = tpu.memref_squeeze %dma_wait3A_63 : memref<1x1024xf32, #tpu.memory_space<hbm>> -> memref<1024xf32, #tpu.memory_space<hbm>>
        tpu.wait_dma2 semaphore(%run_scoped3A_54 : memref<!tpu.dma_semaphore, #tpu.memory_space<semaphore_mem>>) src(%arg16 : memref<1024xf32, #tpu.memory_space<vmem>>) dst(%dma_wait3A_64 : memref<1024xf32, #tpu.memory_space<hbm>>)
        tpu.yield
      }) : () -> ()
      %scan3A_33 = arith.constant 0 : i32
      %scan3A_34 = arith.constant 0 : i32
      %scan3A_35 = arith.constant 64 : i32
      %scan3A_36 = arith.addi %scan3A_34, %scan3A_35 : i32
      %scan3A_37 = arith.constant 1 : i32
      %scan3A_38 = scf.for %scan3A_54 = %scan3A_34 to %scan3A_36 step %scan3A_37 iter_args(%scan3A_55 = %scan3A_33) -> (i32)  : i32 {
        %mul3A_56 = arith.constant 16 : i32
        %mul3A_57 = arith.muli %scan3A_54, %mul3A_56 : i32
        %get3A = arith.index_cast %mul3A_57 : i32 to index
        %get3A_58 = tpu.vector_load %arg15[%get3A] {strides = array<i32>} : memref<1024xi32, #tpu.memory_space<vmem>>, vector<16xi32>,
        %gather3A = tpu.vector_load_idx %arg11[%get3A_58] : memref<20000xf32, #tpu.memory_space<vmem>>[vector<16xi32>], vector<16xf32>,
        %mul3A_59 = arith.constant 16 : i32
        %mul3A_60 = arith.muli %scan3A_54, %mul3A_59 : i32
        %swap3A = arith.index_cast %mul3A_60 : i32 to index
        %swap3A_61 = tpu.vector_load %arg16[%swap3A] {strides = array<i32>} : memref<1024xf32, #tpu.memory_space<vmem>>, vector<16xf32>,
        tpu.vector_store %arg16[%swap3A], %gather3A {strides = array<i32>} : memref<1024xf32, #tpu.memory_space<vmem>>, vector<16xf32>,
        %scan3A_62 = arith.constant 0 : i32
        scf.yield %scan3A_62 : i32
      }
      %scan3A_39 = arith.constant 64 : i32
      "tpu.region"() ({
        %run_scoped3A_54 = tpu.sem_alloc : memref<!tpu.dma_semaphore, #tpu.memory_space<semaphore_mem>>
        %dma_start3A = arith.constant 0 : i32
        %dma_start3A_55 = tpu.memref_slice %arg6[%add3A, %dma_start3A] : memref<20x1024xf32, #tpu.memory_space<hbm>> -> memref<1x1024xf32, #tpu.memory_space<hbm>>
        %dma_start3A_56 = tpu.memref_squeeze %dma_start3A_55 : memref<1x1024xf32, #tpu.memory_space<hbm>> -> memref<1024xf32, #tpu.memory_space<hbm>>
        %dma_start3A_57 = arith.constant 0 : i32
        %dma_start3A_58 = tpu.memref_slice %arg6[%add3A, %dma_start3A_57] : memref<20x1024xf32, #tpu.memory_space<hbm>> -> memref<1x1024xf32, #tpu.memory_space<hbm>>
        %dma_start3A_59 = tpu.memref_squeeze %dma_start3A_58 : memref<1x1024xf32, #tpu.memory_space<hbm>> -> memref<1024xf32, #tpu.memory_space<hbm>>
        tpu.enqueue_dma source(%arg16 : memref<1024xf32, #tpu.memory_space<vmem>>) target(%dma_start3A_59 : memref<1024xf32, #tpu.memory_space<hbm>>) target_semaphore(%run_scoped3A_54 : memref<!tpu.dma_semaphore, #tpu.memory_space<semaphore_mem>>)
        %dma_wait3A = arith.constant 0 : i32
        %dma_wait3A_60 = tpu.memref_slice %arg6[%add3A, %dma_wait3A] : memref<20x1024xf32, #tpu.memory_space<hbm>> -> memref<1x1024xf32, #tpu.memory_space<hbm>>
        %dma_wait3A_61 = tpu.memref_squeeze %dma_wait3A_60 : memref<1x1024xf32, #tpu.memory_space<hbm>> -> memref<1024xf32, #tpu.memory_space<hbm>>
        %dma_wait3A_62 = arith.constant 0 : i32
        %dma_wait3A_63 = tpu.memref_slice %arg6[%add3A, %dma_wait3A_62] : memref<20x1024xf32, #tpu.memory_space<hbm>> -> memref<1x1024xf32, #tpu.memory_space<hbm>>
        %dma_wait3A_64 = tpu.memref_squeeze %dma_wait3A_63 : memref<1x1024xf32, #tpu.memory_space<hbm>> -> memref<1024xf32, #tpu.memory_space<hbm>>
        tpu.wait_dma2 semaphore(%run_scoped3A_54 : memref<!tpu.dma_semaphore, #tpu.memory_space<semaphore_mem>>) src(%arg16 : memref<1024xf32, #tpu.memory_space<vmem>>) dst(%dma_wait3A_64 : memref<1024xf32, #tpu.memory_space<hbm>>)
        tpu.yield
      }) : () -> ()
      %scan3A_40 = arith.constant 0 : i32
      %scan3A_41 = arith.constant 0 : i32
      %scan3A_42 = arith.constant 64 : i32
      %scan3A_43 = arith.addi %scan3A_41, %scan3A_42 : i32
      %scan3A_44 = arith.constant 1 : i32
      %scan3A_45 = scf.for %scan3A_54 = %scan3A_41 to %scan3A_43 step %scan3A_44 iter_args(%scan3A_55 = %scan3A_40) -> (i32)  : i32 {
        %mul3A_56 = arith.constant 16 : i32
        %mul3A_57 = arith.muli %scan3A_54, %mul3A_56 : i32
        %get3A = arith.index_cast %mul3A_57 : i32 to index
        %get3A_58 = tpu.vector_load %arg15[%get3A] {strides = array<i32>} : memref<1024xi32, #tpu.memory_space<vmem>>, vector<16xi32>,
        %gather3A = tpu.vector_load_idx %arg12[%get3A_58] : memref<20000xf32, #tpu.memory_space<vmem>>[vector<16xi32>], vector<16xf32>,
        %mul3A_59 = arith.constant 16 : i32
        %mul3A_60 = arith.muli %scan3A_54, %mul3A_59 : i32
        %swap3A = arith.index_cast %mul3A_60 : i32 to index
        %swap3A_61 = tpu.vector_load %arg16[%swap3A] {strides = array<i32>} : memref<1024xf32, #tpu.memory_space<vmem>>, vector<16xf32>,
        tpu.vector_store %arg16[%swap3A], %gather3A {strides = array<i32>} : memref<1024xf32, #tpu.memory_space<vmem>>, vector<16xf32>,
        %scan3A_62 = arith.constant 0 : i32
        scf.yield %scan3A_62 : i32
      }
      %scan3A_46 = arith.constant 64 : i32
      "tpu.region"() ({
        %run_scoped3A_54 = tpu.sem_alloc : memref<!tpu.dma_semaphore, #tpu.memory_space<semaphore_mem>>
        %dma_start3A = arith.constant 0 : i32
        %dma_start3A_55 = tpu.memref_slice %arg7[%add3A, %dma_start3A] : memref<20x1024xf32, #tpu.memory_space<hbm>> -> memref<1x1024xf32, #tpu.memory_space<hbm>>
        %dma_start3A_56 = tpu.memref_squeeze %dma_start3A_55 : memref<1x1024xf32, #tpu.memory_space<hbm>> -> memref<1024xf32, #tpu.memory_space<hbm>>
        %dma_start3A_57 = arith.constant 0 : i32
        %dma_start3A_58 = tpu.memref_slice %arg7[%add3A, %dma_start3A_57] : memref<20x1024xf32, #tpu.memory_space<hbm>> -> memref<1x1024xf32, #tpu.memory_space<hbm>>
        %dma_start3A_59 = tpu.memref_squeeze %dma_start3A_58 : memref<1x1024xf32, #tpu.memory_space<hbm>> -> memref<1024xf32, #tpu.memory_space<hbm>>
        tpu.enqueue_dma source(%arg16 : memref<1024xf32, #tpu.memory_space<vmem>>) target(%dma_start3A_59 : memref<1024xf32, #tpu.memory_space<hbm>>) target_semaphore(%run_scoped3A_54 : memref<!tpu.dma_semaphore, #tpu.memory_space<semaphore_mem>>)
        %dma_wait3A = arith.constant 0 : i32
        %dma_wait3A_60 = tpu.memref_slice %arg7[%add3A, %dma_wait3A] : memref<20x1024xf32, #tpu.memory_space<hbm>> -> memref<1x1024xf32, #tpu.memory_space<hbm>>
        %dma_wait3A_61 = tpu.memref_squeeze %dma_wait3A_60 : memref<1x1024xf32, #tpu.memory_space<hbm>> -> memref<1024xf32, #tpu.memory_space<hbm>>
        %dma_wait3A_62 = arith.constant 0 : i32
        %dma_wait3A_63 = tpu.memref_slice %arg7[%add3A, %dma_wait3A_62] : memref<20x1024xf32, #tpu.memory_space<hbm>> -> memref<1x1024xf32, #tpu.memory_space<hbm>>
        %dma_wait3A_64 = tpu.memref_squeeze %dma_wait3A_63 : memref<1x1024xf32, #tpu.memory_space<hbm>> -> memref<1024xf32, #tpu.memory_space<hbm>>
        tpu.wait_dma2 semaphore(%run_scoped3A_54 : memref<!tpu.dma_semaphore, #tpu.memory_space<semaphore_mem>>) src(%arg16 : memref<1024xf32, #tpu.memory_space<vmem>>) dst(%dma_wait3A_64 : memref<1024xf32, #tpu.memory_space<hbm>>)
        tpu.yield
      }) : () -> ()
      %scan3A_47 = arith.constant 0 : i32
      %scan3A_48 = arith.constant 0 : i32
      %scan3A_49 = arith.constant 64 : i32
      %scan3A_50 = arith.addi %scan3A_48, %scan3A_49 : i32
      %scan3A_51 = arith.constant 1 : i32
      %scan3A_52 = scf.for %scan3A_54 = %scan3A_48 to %scan3A_50 step %scan3A_51 iter_args(%scan3A_55 = %scan3A_47) -> (i32)  : i32 {
        %mul3A_56 = arith.constant 16 : i32
        %mul3A_57 = arith.muli %scan3A_54, %mul3A_56 : i32
        %get3A = arith.index_cast %mul3A_57 : i32 to index
        %get3A_58 = tpu.vector_load %arg15[%get3A] {strides = array<i32>} : memref<1024xi32, #tpu.memory_space<vmem>>, vector<16xi32>,
        %gather3A = tpu.vector_load_idx %arg13[%get3A_58] : memref<20000xf32, #tpu.memory_space<vmem>>[vector<16xi32>], vector<16xf32>,
        %mul3A_59 = arith.constant 16 : i32
        %mul3A_60 = arith.muli %scan3A_54, %mul3A_59 : i32
        %swap3A = arith.index_cast %mul3A_60 : i32 to index
        %swap3A_61 = tpu.vector_load %arg16[%swap3A] {strides = array<i32>} : memref<1024xf32, #tpu.memory_space<vmem>>, vector<16xf32>,
        tpu.vector_store %arg16[%swap3A], %gather3A {strides = array<i32>} : memref<1024xf32, #tpu.memory_space<vmem>>, vector<16xf32>,
        %scan3A_62 = arith.constant 0 : i32
        scf.yield %scan3A_62 : i32
      }
      %scan3A_53 = arith.constant 64 : i32
      "tpu.region"() ({
        %run_scoped3A_54 = tpu.sem_alloc : memref<!tpu.dma_semaphore, #tpu.memory_space<semaphore_mem>>
        %dma_start3A = arith.constant 0 : i32
        %dma_start3A_55 = tpu.memref_slice %arg8[%add3A, %dma_start3A] : memref<20x1024xf32, #tpu.memory_space<hbm>> -> memref<1x1024xf32, #tpu.memory_space<hbm>>
        %dma_start3A_56 = tpu.memref_squeeze %dma_start3A_55 : memref<1x1024xf32, #tpu.memory_space<hbm>> -> memref<1024xf32, #tpu.memory_space<hbm>>
        %dma_start3A_57 = arith.constant 0 : i32
        %dma_start3A_58 = tpu.memref_slice %arg8[%add3A, %dma_start3A_57] : memref<20x1024xf32, #tpu.memory_space<hbm>> -> memref<1x1024xf32, #tpu.memory_space<hbm>>
        %dma_start3A_59 = tpu.memref_squeeze %dma_start3A_58 : memref<1x1024xf32, #tpu.memory_space<hbm>> -> memref<1024xf32, #tpu.memory_space<hbm>>
        tpu.enqueue_dma source(%arg16 : memref<1024xf32, #tpu.memory_space<vmem>>) target(%dma_start3A_59 : memref<1024xf32, #tpu.memory_space<hbm>>) target_semaphore(%run_scoped3A_54 : memref<!tpu.dma_semaphore, #tpu.memory_space<semaphore_mem>>)
        %dma_wait3A = arith.constant 0 : i32
        %dma_wait3A_60 = tpu.memref_slice %arg8[%add3A, %dma_wait3A] : memref<20x1024xf32, #tpu.memory_space<hbm>> -> memref<1x1024xf32, #tpu.memory_space<hbm>>
        %dma_wait3A_61 = tpu.memref_squeeze %dma_wait3A_60 : memref<1x1024xf32, #tpu.memory_space<hbm>> -> memref<1024xf32, #tpu.memory_space<hbm>>
        %dma_wait3A_62 = arith.constant 0 : i32
        %dma_wait3A_63 = tpu.memref_slice %arg8[%add3A, %dma_wait3A_62] : memref<20x1024xf32, #tpu.memory_space<hbm>> -> memref<1x1024xf32, #tpu.memory_space<hbm>>
        %dma_wait3A_64 = tpu.memref_squeeze %dma_wait3A_63 : memref<1x1024xf32, #tpu.memory_space<hbm>> -> memref<1024xf32, #tpu.memory_space<hbm>>
        tpu.wait_dma2 semaphore(%run_scoped3A_54 : memref<!tpu.dma_semaphore, #tpu.memory_space<semaphore_mem>>) src(%arg16 : memref<1024xf32, #tpu.memory_space<vmem>>) dst(%dma_wait3A_64 : memref<1024xf32, #tpu.memory_space<hbm>>)
        tpu.yield
      }) : () -> ()
    } else {
    }
    return
  }
}

module attributes {stable_mosaic.version = 14 : i64} {
  func.func @_decode_body(%arg0: memref<1x20000xf32, #tpu.memory_space<vmem>>, %arg1: memref<4x20000xf32, #tpu.memory_space<vmem>>, %arg2: memref<20x20000xf32, #tpu.memory_space<vmem>>, %arg3: memref<4x20000xf32, #tpu.memory_space<vmem>>, %arg4: memref<4x20000xf32, #tpu.memory_space<vmem>>, %arg5: memref<20x20000xf32, #tpu.memory_space<vmem>>, %arg6: memref<8x20000xf32, #tpu.memory_space<vmem>>) attributes {dimension_semantics = [], scalar_prefetch = 0 : i64, scratch_operands = 0 : i64, tpu.core_type = #tpu.core_type<tc>} {
    %get3A = arith.constant 0 : index
    %get3A_0 = arith.constant 0 : index
    %get3A_1 = vector.load %arg4[%get3A, %get3A_0] : memref<4x20000xf32, #tpu.memory_space<vmem>>, vector<1x20000xf32>
    %get3A_2 = arith.constant 1 : index
    %get3A_3 = arith.constant 0 : index
    %get3A_4 = vector.load %arg4[%get3A_2, %get3A_3] : memref<4x20000xf32, #tpu.memory_space<vmem>>, vector<1x20000xf32>
    %get3A_5 = arith.constant 2 : index
    %get3A_6 = arith.constant 0 : index
    %get3A_7 = vector.load %arg4[%get3A_5, %get3A_6] : memref<4x20000xf32, #tpu.memory_space<vmem>>, vector<1x20000xf32>
    %get3A_8 = arith.constant 3 : index
    %get3A_9 = arith.constant 0 : index
    %get3A_10 = vector.load %arg4[%get3A_8, %get3A_9] : memref<4x20000xf32, #tpu.memory_space<vmem>>, vector<1x20000xf32>
    %get3A_11 = arith.constant 0 : index
    %get3A_12 = arith.constant 0 : index
    %get3A_13 = vector.load %arg1[%get3A_11, %get3A_12] : memref<4x20000xf32, #tpu.memory_space<vmem>>, vector<1x20000xf32>
    %mul3A = arith.constant 1.000000e-01 : f32
    %mul3A_14 = vector.broadcast %mul3A : f32 to vector<1x20000xf32>
    %mul3A_15 = arith.mulf %get3A_13, %mul3A_14 : vector<1x20000xf32>
    %mul3A_16 = arith.mulf %mul3A_15, %get3A_7 : vector<1x20000xf32>
    %add3A = arith.addf %mul3A_16, %get3A_1 : vector<1x20000xf32>
    %get3A_17 = arith.constant 1 : index
    %get3A_18 = arith.constant 0 : index
    %get3A_19 = vector.load %arg1[%get3A_17, %get3A_18] : memref<4x20000xf32, #tpu.memory_space<vmem>>, vector<1x20000xf32>
    %mul3A_20 = arith.constant 1.000000e-01 : f32
    %mul3A_21 = vector.broadcast %mul3A_20 : f32 to vector<1x20000xf32>
    %mul3A_22 = arith.mulf %get3A_19, %mul3A_21 : vector<1x20000xf32>
    %mul3A_23 = arith.mulf %mul3A_22, %get3A_10 : vector<1x20000xf32>
    %add3A_24 = arith.addf %mul3A_23, %get3A_4 : vector<1x20000xf32>
    %get3A_25 = arith.constant 2 : index
    %get3A_26 = arith.constant 0 : index
    %get3A_27 = vector.load %arg1[%get3A_25, %get3A_26] : memref<4x20000xf32, #tpu.memory_space<vmem>>, vector<1x20000xf32>
    %mul3A_28 = arith.constant 2.000000e-01 : f32
    %mul3A_29 = vector.broadcast %mul3A_28 : f32 to vector<1x20000xf32>
    %mul3A_30 = arith.mulf %get3A_27, %mul3A_29 : vector<1x20000xf32>
    %exp3A = math.exp %mul3A_30 : vector<1x20000xf32>
    %mul3A_31 = arith.mulf %get3A_7, %exp3A : vector<1x20000xf32>
    %get3A_32 = arith.constant 3 : index
    %get3A_33 = arith.constant 0 : index
    %get3A_34 = vector.load %arg1[%get3A_32, %get3A_33] : memref<4x20000xf32, #tpu.memory_space<vmem>>, vector<1x20000xf32>
    %mul3A_35 = arith.constant 2.000000e-01 : f32
    %mul3A_36 = vector.broadcast %mul3A_35 : f32 to vector<1x20000xf32>
    %mul3A_37 = arith.mulf %get3A_34, %mul3A_36 : vector<1x20000xf32>
    %exp3A_38 = math.exp %mul3A_37 : vector<1x20000xf32>
    %mul3A_39 = arith.mulf %get3A_10, %exp3A_38 : vector<1x20000xf32>
    %get3A_40 = arith.constant 0 : index
    %get3A_41 = arith.constant 0 : index
    %get3A_42 = vector.load %arg3[%get3A_40, %get3A_41] : memref<4x20000xf32, #tpu.memory_space<vmem>>, vector<1x20000xf32>
    %mul3A_43 = arith.constant 1.000000e-01 : f32
    %mul3A_44 = vector.broadcast %mul3A_43 : f32 to vector<1x20000xf32>
    %mul3A_45 = arith.mulf %get3A_42, %mul3A_44 : vector<1x20000xf32>
    %mul3A_46 = arith.mulf %mul3A_45, %mul3A_31 : vector<1x20000xf32>
    %add3A_47 = arith.addf %mul3A_46, %add3A : vector<1x20000xf32>
    %get3A_48 = arith.constant 1 : index
    %get3A_49 = arith.constant 0 : index
    %get3A_50 = vector.load %arg3[%get3A_48, %get3A_49] : memref<4x20000xf32, #tpu.memory_space<vmem>>, vector<1x20000xf32>
    %mul3A_51 = arith.constant 1.000000e-01 : f32
    %mul3A_52 = vector.broadcast %mul3A_51 : f32 to vector<1x20000xf32>
    %mul3A_53 = arith.mulf %get3A_50, %mul3A_52 : vector<1x20000xf32>
    %mul3A_54 = arith.mulf %mul3A_53, %mul3A_39 : vector<1x20000xf32>
    %add3A_55 = arith.addf %mul3A_54, %add3A_24 : vector<1x20000xf32>
    %get3A_56 = arith.constant 2 : index
    %get3A_57 = arith.constant 0 : index
    %get3A_58 = vector.load %arg3[%get3A_56, %get3A_57] : memref<4x20000xf32, #tpu.memory_space<vmem>>, vector<1x20000xf32>
    %mul3A_59 = arith.constant 2.000000e-01 : f32
    %mul3A_60 = vector.broadcast %mul3A_59 : f32 to vector<1x20000xf32>
    %mul3A_61 = arith.mulf %get3A_58, %mul3A_60 : vector<1x20000xf32>
    %exp3A_62 = math.exp %mul3A_61 : vector<1x20000xf32>
    %mul3A_63 = arith.mulf %mul3A_31, %exp3A_62 : vector<1x20000xf32>
    %get3A_64 = arith.constant 3 : index
    %get3A_65 = arith.constant 0 : index
    %get3A_66 = vector.load %arg3[%get3A_64, %get3A_65] : memref<4x20000xf32, #tpu.memory_space<vmem>>, vector<1x20000xf32>
    %mul3A_67 = arith.constant 2.000000e-01 : f32
    %mul3A_68 = vector.broadcast %mul3A_67 : f32 to vector<1x20000xf32>
    %mul3A_69 = arith.mulf %get3A_66, %mul3A_68 : vector<1x20000xf32>
    %exp3A_70 = math.exp %mul3A_69 : vector<1x20000xf32>
    %mul3A_71 = arith.mulf %mul3A_39, %exp3A_70 : vector<1x20000xf32>
    %mul3A_72 = arith.constant 5.000000e-01 : f32
    %mul3A_73 = vector.broadcast %mul3A_72 : f32 to vector<1x20000xf32>
    %mul3A_74 = arith.mulf %mul3A_63, %mul3A_73 : vector<1x20000xf32>
    %sub3A = arith.subf %add3A_47, %mul3A_74 : vector<1x20000xf32>
    %jit3A = arith.constant 0.000000e+00 : f32
    %jit3A_75 = arith.constant 1.000000e+00 : f32
    %max3A = vector.broadcast %jit3A : f32 to vector<1x20000xf32>
    %max3A_76 = arith.maximumf %max3A, %sub3A : vector<1x20000xf32>
    %min3A = vector.broadcast %jit3A_75 : f32 to vector<1x20000xf32>
    %min3A_77 = arith.minimumf %min3A, %max3A_76 : vector<1x20000xf32>
    %mul3A_78 = arith.constant 5.000000e-01 : f32
    %mul3A_79 = vector.broadcast %mul3A_78 : f32 to vector<1x20000xf32>
    %mul3A_80 = arith.mulf %mul3A_71, %mul3A_79 : vector<1x20000xf32>
    %sub3A_81 = arith.subf %add3A_55, %mul3A_80 : vector<1x20000xf32>
    %jit3A_82 = arith.constant 0.000000e+00 : f32
    %jit3A_83 = arith.constant 1.000000e+00 : f32
    %max3A_84 = vector.broadcast %jit3A_82 : f32 to vector<1x20000xf32>
    %max3A_85 = arith.maximumf %max3A_84, %sub3A_81 : vector<1x20000xf32>
    %min3A_86 = vector.broadcast %jit3A_83 : f32 to vector<1x20000xf32>
    %min3A_87 = arith.minimumf %min3A_86, %max3A_85 : vector<1x20000xf32>
    %mul3A_88 = arith.constant 5.000000e-01 : f32
    %mul3A_89 = vector.broadcast %mul3A_88 : f32 to vector<1x20000xf32>
    %mul3A_90 = arith.mulf %mul3A_63, %mul3A_89 : vector<1x20000xf32>
    %add3A_91 = arith.addf %add3A_47, %mul3A_90 : vector<1x20000xf32>
    %jit3A_92 = arith.constant 0.000000e+00 : f32
    %jit3A_93 = arith.constant 1.000000e+00 : f32
    %max3A_94 = vector.broadcast %jit3A_92 : f32 to vector<1x20000xf32>
    %max3A_95 = arith.maximumf %max3A_94, %add3A_91 : vector<1x20000xf32>
    %min3A_96 = vector.broadcast %jit3A_93 : f32 to vector<1x20000xf32>
    %min3A_97 = arith.minimumf %min3A_96, %max3A_95 : vector<1x20000xf32>
    %mul3A_98 = arith.constant 5.000000e-01 : f32
    %mul3A_99 = vector.broadcast %mul3A_98 : f32 to vector<1x20000xf32>
    %mul3A_100 = arith.mulf %mul3A_71, %mul3A_99 : vector<1x20000xf32>
    %add3A_101 = arith.addf %add3A_55, %mul3A_100 : vector<1x20000xf32>
    %jit3A_102 = arith.constant 0.000000e+00 : f32
    %jit3A_103 = arith.constant 1.000000e+00 : f32
    %max3A_104 = vector.broadcast %jit3A_102 : f32 to vector<1x20000xf32>
    %max3A_105 = arith.maximumf %max3A_104, %add3A_101 : vector<1x20000xf32>
    %min3A_106 = vector.broadcast %jit3A_103 : f32 to vector<1x20000xf32>
    %min3A_107 = arith.minimumf %min3A_106, %max3A_105 : vector<1x20000xf32>
    %swap3A = arith.constant 0 : index
    %swap3A_108 = arith.constant 0 : index
    %swap3A_109 = vector.load %arg6[%swap3A, %swap3A_108] : memref<8x20000xf32, #tpu.memory_space<vmem>>, vector<1x20000xf32>
    tpu.vector_store %arg6[%swap3A, %swap3A_108], %min3A_77 {strides = array<i32>} : memref<8x20000xf32, #tpu.memory_space<vmem>>, vector<1x20000xf32>,
    %swap3A_110 = arith.constant 1 : index
    %swap3A_111 = arith.constant 0 : index
    %swap3A_112 = vector.load %arg6[%swap3A_110, %swap3A_111] : memref<8x20000xf32, #tpu.memory_space<vmem>>, vector<1x20000xf32>
    tpu.vector_store %arg6[%swap3A_110, %swap3A_111], %min3A_87 {strides = array<i32>} : memref<8x20000xf32, #tpu.memory_space<vmem>>, vector<1x20000xf32>,
    %swap3A_113 = arith.constant 2 : index
    %swap3A_114 = arith.constant 0 : index
    %swap3A_115 = vector.load %arg6[%swap3A_113, %swap3A_114] : memref<8x20000xf32, #tpu.memory_space<vmem>>, vector<1x20000xf32>
    tpu.vector_store %arg6[%swap3A_113, %swap3A_114], %min3A_97 {strides = array<i32>} : memref<8x20000xf32, #tpu.memory_space<vmem>>, vector<1x20000xf32>,
    %swap3A_116 = arith.constant 3 : index
    %swap3A_117 = arith.constant 0 : index
    %swap3A_118 = vector.load %arg6[%swap3A_116, %swap3A_117] : memref<8x20000xf32, #tpu.memory_space<vmem>>, vector<1x20000xf32>
    tpu.vector_store %arg6[%swap3A_116, %swap3A_117], %min3A_107 {strides = array<i32>} : memref<8x20000xf32, #tpu.memory_space<vmem>>, vector<1x20000xf32>,
    %broadcast_in_dim3A = arith.constant 0.000000e+00 : f32
    %broadcast_in_dim3A_119 = vector.broadcast %broadcast_in_dim3A : f32 to vector<1x20000xf32>
    %swap3A_120 = arith.constant 4 : index
    %swap3A_121 = arith.constant 0 : index
    %swap3A_122 = vector.load %arg6[%swap3A_120, %swap3A_121] : memref<8x20000xf32, #tpu.memory_space<vmem>>, vector<1x20000xf32>
    tpu.vector_store %arg6[%swap3A_120, %swap3A_121], %broadcast_in_dim3A_119 {strides = array<i32>} : memref<8x20000xf32, #tpu.memory_space<vmem>>, vector<1x20000xf32>,
    %swap3A_123 = arith.constant 5 : index
    %swap3A_124 = arith.constant 0 : index
    %swap3A_125 = vector.load %arg6[%swap3A_123, %swap3A_124] : memref<8x20000xf32, #tpu.memory_space<vmem>>, vector<1x20000xf32>
    tpu.vector_store %arg6[%swap3A_123, %swap3A_124], %broadcast_in_dim3A_119 {strides = array<i32>} : memref<8x20000xf32, #tpu.memory_space<vmem>>, vector<1x20000xf32>,
    %swap3A_126 = arith.constant 6 : index
    %swap3A_127 = arith.constant 0 : index
    %swap3A_128 = vector.load %arg6[%swap3A_126, %swap3A_127] : memref<8x20000xf32, #tpu.memory_space<vmem>>, vector<1x20000xf32>
    tpu.vector_store %arg6[%swap3A_126, %swap3A_127], %broadcast_in_dim3A_119 {strides = array<i32>} : memref<8x20000xf32, #tpu.memory_space<vmem>>, vector<1x20000xf32>,
    %swap3A_129 = arith.constant 7 : index
    %swap3A_130 = arith.constant 0 : index
    %swap3A_131 = vector.load %arg6[%swap3A_129, %swap3A_130] : memref<8x20000xf32, #tpu.memory_space<vmem>>, vector<1x20000xf32>
    tpu.vector_store %arg6[%swap3A_129, %swap3A_130], %broadcast_in_dim3A_119 {strides = array<i32>} : memref<8x20000xf32, #tpu.memory_space<vmem>>, vector<1x20000xf32>,
    %get3A_132 = arith.constant 0 : index
    %get3A_133 = arith.constant 0 : index
    %get3A_134 = vector.load %arg0[%get3A_132, %get3A_133] : memref<1x20000xf32, #tpu.memory_space<vmem>>, vector<1x20000xf32>
    %ge3A = arith.constant 9.900000e-01 : f32
    %ge3A_135 = vector.broadcast %ge3A : f32 to vector<1x20000xf32>
    %ge3A_136 = arith.cmpf oge, %get3A_134, %ge3A_135 : vector<1x20000xf32>
    %convert_element_type3A = arith.extui %ge3A_136 : vector<1x20000xi1> to vector<1x20000xi32>
    %convert_element_type3A_137 = arith.sitofp %convert_element_type3A : vector<1x20000xi32> to vector<1x20000xf32>
    %sub3A_138 = arith.constant 1.000000e+00 : f32
    %sub3A_139 = vector.broadcast %sub3A_138 : f32 to vector<1x20000xf32>
    %sub3A_140 = arith.subf %sub3A_139, %convert_element_type3A_137 : vector<1x20000xf32>
    %get3A_141 = arith.constant 0 : index
    %get3A_142 = arith.constant 0 : index
    %get3A_143 = vector.load %arg2[%get3A_141, %get3A_142] : memref<20x20000xf32, #tpu.memory_space<vmem>>, vector<20x20000xf32>
    %mul3A_144 = vector.broadcast %sub3A_140 : vector<1x20000xf32> to vector<20x20000xf32>
    %mul3A_145 = arith.mulf %get3A_143, %mul3A_144 : vector<20x20000xf32>
    %gt3A = arith.constant 0.00999999977 : f32
    %gt3A_146 = vector.broadcast %gt3A : f32 to vector<20x20000xf32>
    %gt3A_147 = arith.cmpf ogt, %mul3A_145, %gt3A_146 : vector<20x20000xf32>
    %jit3A_148 = arith.constant 0.000000e+00 : f32
    %broadcast_in_dim3A_149 = vector.broadcast %jit3A_148 : f32 to vector<20x20000xf32>
    %select_n3A = arith.select %gt3A_147, %mul3A_145, %broadcast_in_dim3A_149 : vector<20x20000xi1>, vector<20x20000xf32>
    %swap3A_150 = arith.constant 0 : index
    %swap3A_151 = arith.constant 0 : index
    %swap3A_152 = vector.load %arg5[%swap3A_150, %swap3A_151] : memref<20x20000xf32, #tpu.memory_space<vmem>>, vector<20x20000xf32>
    tpu.vector_store %arg5[%swap3A_150, %swap3A_151], %select_n3A {strides = array<i32>} : memref<20x20000xf32, #tpu.memory_space<vmem>>, vector<20x20000xf32>,
    return
  }
}

module attributes {stable_mosaic.version = 14 : i64} {
  func.func @_nms_body(%arg0: memref<20x1024xf32, #tpu.memory_space<vmem>>, %arg1: memref<20x1024xf32, #tpu.memory_space<vmem>>, %arg2: memref<20x1024xf32, #tpu.memory_space<vmem>>, %arg3: memref<20x1024xf32, #tpu.memory_space<vmem>>, %arg4: memref<20x1024xf32, #tpu.memory_space<vmem>>, %arg5: memref<20x20000xf32, #tpu.memory_space<vmem>>, %arg6: memref<8x20000xf32, #tpu.memory_space<vmem>>, %arg7: memref<5x20x256xf32, #tpu.memory_space<vmem>>, %arg8: memref<20x1024xi32, #tpu.memory_space<vmem>>, %arg9: memref<20x1024xf32, #tpu.memory_space<vmem>>, %arg10: memref<20x20000xf32, #tpu.memory_space<vmem>>) attributes {dimension_semantics = [], scalar_prefetch = 0 : i64, scratch_operands = 3 : i64, tpu.core_type = #tpu.core_type<tc>} {
    %get3A = arith.constant 0 : index
    %get3A_0 = arith.constant 0 : index
    %get3A_1 = vector.load %arg3[%get3A, %get3A_0] : memref<20x1024xf32, #tpu.memory_space<vmem>>, vector<20x1024xf32>
    %get3A_2 = arith.constant 0 : index
    %get3A_3 = arith.constant 0 : index
    %get3A_4 = vector.load %arg1[%get3A_2, %get3A_3] : memref<20x1024xf32, #tpu.memory_space<vmem>>, vector<20x1024xf32>
    %sub3A = arith.subf %get3A_1, %get3A_4 : vector<20x1024xf32>
    %max3A = arith.constant 0.000000e+00 : f32
    %max3A_5 = vector.broadcast %max3A : f32 to vector<20x1024xf32>
    %max3A_6 = arith.maximumf %sub3A, %max3A_5 : vector<20x1024xf32>
    %get3A_7 = arith.constant 0 : index
    %get3A_8 = arith.constant 0 : index
    %get3A_9 = vector.load %arg4[%get3A_7, %get3A_8] : memref<20x1024xf32, #tpu.memory_space<vmem>>, vector<20x1024xf32>
    %get3A_10 = arith.constant 0 : index
    %get3A_11 = arith.constant 0 : index
    %get3A_12 = vector.load %arg2[%get3A_10, %get3A_11] : memref<20x1024xf32, #tpu.memory_space<vmem>>, vector<20x1024xf32>
    %sub3A_13 = arith.subf %get3A_9, %get3A_12 : vector<20x1024xf32>
    %max3A_14 = arith.constant 0.000000e+00 : f32
    %max3A_15 = vector.broadcast %max3A_14 : f32 to vector<20x1024xf32>
    %max3A_16 = arith.maximumf %sub3A_13, %max3A_15 : vector<20x1024xf32>
    %mul3A = arith.mulf %max3A_6, %max3A_16 : vector<20x1024xf32>
    %swap3A = arith.constant 0 : index
    %swap3A_17 = arith.constant 0 : index
    %swap3A_18 = vector.load %arg9[%swap3A, %swap3A_17] : memref<20x1024xf32, #tpu.memory_space<vmem>>, vector<20x1024xf32>
    tpu.vector_store %arg9[%swap3A, %swap3A_17], %mul3A {strides = array<i32>} : memref<20x1024xf32, #tpu.memory_space<vmem>>, vector<20x1024xf32>,
    %broadcast_in_dim3A = arith.constant 0.000000e+00 : f32
    %broadcast_in_dim3A_19 = vector.broadcast %broadcast_in_dim3A : f32 to vector<5x20x256xf32>
    %swap3A_20 = arith.constant 0 : index
    %swap3A_21 = arith.constant 0 : index
    %swap3A_22 = arith.constant 0 : index
    %swap3A_23 = vector.load %arg7[%swap3A_20, %swap3A_21, %swap3A_22] : memref<5x20x256xf32, #tpu.memory_space<vmem>>, vector<5x20x256xf32>
    tpu.vector_store %arg7[%swap3A_20, %swap3A_21, %swap3A_22], %broadcast_in_dim3A_19 {strides = array<i32>} : memref<5x20x256xf32, #tpu.memory_space<vmem>>, vector<5x20x256xf32>,
    %iota3A = tpu.iota {dimensions = array<i32: 1>} : vector<20x1024xi32>
    %iota3A_24 = tpu.iota {dimensions = array<i32: 1>} : vector<20x256xi32>
    %get3A_25 = arith.constant 0 : index
    %get3A_26 = arith.constant 0 : index
    %get3A_27 = vector.load %arg0[%get3A_25, %get3A_26] : memref<20x1024xf32, #tpu.memory_space<vmem>>, vector<20x1024xf32>
    %bitcast_convert_type3A = tpu.bitcast %get3A_27 : vector<20x1024xf32> -> vector<20x1024xi32>
    %sub3A_28 = arith.constant 1023 : i32
    %sub3A_29 = vector.broadcast %sub3A_28 : i32 to vector<20x1024xi32>
    %sub3A_30 = arith.subi %sub3A_29, %iota3A : vector<20x1024xi32>
    %gt3A = arith.constant 0.000000e+00 : f32
    %gt3A_31 = vector.broadcast %gt3A : f32 to vector<20x1024xf32>
    %gt3A_32 = arith.cmpf ogt, %get3A_27, %gt3A_31 : vector<20x1024xf32>
    %sub3A_33 = arith.constant 1064682127 : i32
    %sub3A_34 = vector.broadcast %sub3A_33 : i32 to vector<20x1024xi32>
    %sub3A_35 = arith.subi %bitcast_convert_type3A, %sub3A_34 : vector<20x1024xi32>
    %shift_left3A = arith.constant 10 : i32
    %shift_left3A_36 = vector.broadcast %shift_left3A : i32 to vector<20x1024xi32>
    %shift_left3A_37 = arith.shli %sub3A_35, %shift_left3A_36 : vector<20x1024xi32>
    %add3A = arith.addi %shift_left3A_37, %sub3A_30 : vector<20x1024xi32>
    %jit3A = arith.constant -1073741824 : i32
    %broadcast_in_dim3A_38 = vector.broadcast %jit3A : i32 to vector<20x1024xi32>
    %select_n3A = arith.select %gt3A_32, %add3A, %broadcast_in_dim3A_38 : vector<20x1024xi1>, vector<20x1024xi32>
    %swap3A_39 = arith.constant 0 : index
    %swap3A_40 = arith.constant 0 : index
    %swap3A_41 = vector.load %arg8[%swap3A_39, %swap3A_40] : memref<20x1024xi32, #tpu.memory_space<vmem>>, vector<20x1024xi32>
    tpu.vector_store %arg8[%swap3A_39, %swap3A_40], %select_n3A {strides = array<i32>} : memref<20x1024xi32, #tpu.memory_space<vmem>>, vector<20x1024xi32>,
    %reduce_max3A = arith.constant dense<-2147483648> : vector<20xi32>
    %reduce_max3A_42 = vector.multi_reduction <maxsi>, %select_n3A, %reduce_max3A [1] : vector<20x1024xi32> to vector<20xi32>
    %broadcast_in_dim3A_43 = vector.shape_cast %reduce_max3A_42 : vector<20xi32> to vector<20x1xi32>
    %broadcast_in_dim3A_44 = arith.constant 0 : i32
    %broadcast_in_dim3A_45 = vector.broadcast %broadcast_in_dim3A_44 : i32 to vector<20x1xi32>
    %scan3A = arith.constant 0 : i32
    %scan3A_46 = arith.constant 200 : i32
    %scan3A_47 = arith.addi %scan3A, %scan3A_46 : i32
    %scan3A_48 = arith.constant 4 : i32
    %scan3A_49:2 = scf.for %scan3A_65 = %scan3A to %scan3A_47 step %scan3A_48 iter_args(%scan3A_66 = %broadcast_in_dim3A_45, %scan3A_67 = %broadcast_in_dim3A_43) -> (vector<20x1xi32>, vector<20x1xi32>)  : i32 {
      %get3A_68 = arith.constant 0 : index
      %get3A_69 = arith.constant 0 : index
      %get3A_70 = vector.load %arg1[%get3A_68, %get3A_69] : memref<20x1024xf32, #tpu.memory_space<vmem>>, vector<20x1024xf32>
      %get3A_71 = arith.constant 0 : index
      %get3A_72 = arith.constant 0 : index
      %get3A_73 = vector.load %arg2[%get3A_71, %get3A_72] : memref<20x1024xf32, #tpu.memory_space<vmem>>, vector<20x1024xf32>
      %get3A_74 = arith.constant 0 : index
      %get3A_75 = arith.constant 0 : index
      %get3A_76 = vector.load %arg3[%get3A_74, %get3A_75] : memref<20x1024xf32, #tpu.memory_space<vmem>>, vector<20x1024xf32>
      %get3A_77 = arith.constant 0 : index
      %get3A_78 = arith.constant 0 : index
      %get3A_79 = vector.load %arg4[%get3A_77, %get3A_78] : memref<20x1024xf32, #tpu.memory_space<vmem>>, vector<20x1024xf32>
      %gt3A_80 = arith.constant 0 : i32
      %gt3A_81 = vector.broadcast %gt3A_80 : i32 to vector<20x1xi32>
      %gt3A_82 = arith.cmpi sgt, %scan3A_67, %gt3A_81 : vector<20x1xi32>
      %and3A = arith.constant 1023 : i32
      %and3A_83 = vector.broadcast %and3A : i32 to vector<20x1xi32>
      %and3A_84 = arith.andi %scan3A_67, %and3A_83 : vector<20x1xi32>
      %sub3A_85 = arith.constant 1023 : i32
      %sub3A_86 = vector.broadcast %sub3A_85 : i32 to vector<20x1xi32>
      %sub3A_87 = arith.subi %sub3A_86, %and3A_84 : vector<20x1xi32>
      %shift_right_logical3A = arith.constant 10 : i32
      %shift_right_logical3A_88 = vector.broadcast %shift_right_logical3A : i32 to vector<20x1xi32>
      %shift_right_logical3A_89 = arith.shrui %scan3A_67, %shift_right_logical3A_88 : vector<20x1xi32>
      %add3A_90 = arith.constant 1064682127 : i32
      %add3A_91 = vector.broadcast %add3A_90 : i32 to vector<20x1xi32>
      %add3A_92 = arith.addi %shift_right_logical3A_89, %add3A_91 : vector<20x1xi32>
      %bitcast_convert_type3A_93 = tpu.bitcast %add3A_92 : vector<20x1xi32> -> vector<20x1xf32>
      %eq3A = vector.broadcast %sub3A_87 : vector<20x1xi32> to vector<20x1024xi32>
      %eq3A_94 = arith.cmpi eq, %iota3A, %eq3A : vector<20x1024xi32>
      %jit3A_95 = arith.constant 0.000000e+00 : f32
      %broadcast_in_dim3A_96 = vector.broadcast %jit3A_95 : f32 to vector<20x1024xf32>
      %select_n3A_97 = arith.select %eq3A_94, %get3A_70, %broadcast_in_dim3A_96 : vector<20x1024xi1>, vector<20x1024xf32>
      %reduce_sum3A = arith.constant dense<0.000000e+00> : vector<20xf32>
      %reduce_sum3A_98 = vector.multi_reduction <add>, %select_n3A_97, %reduce_sum3A [1] : vector<20x1024xf32> to vector<20xf32>
      %broadcast_in_dim3A_99 = vector.shape_cast %reduce_sum3A_98 : vector<20xf32> to vector<20x1xf32>
      %jit3A_100 = arith.constant 0.000000e+00 : f32
      %broadcast_in_dim3A_101 = vector.broadcast %jit3A_100 : f32 to vector<20x1024xf32>
      %select_n3A_102 = arith.select %eq3A_94, %get3A_73, %broadcast_in_dim3A_101 : vector<20x1024xi1>, vector<20x1024xf32>
      %reduce_sum3A_103 = arith.constant dense<0.000000e+00> : vector<20xf32>
      %reduce_sum3A_104 = vector.multi_reduction <add>, %select_n3A_102, %reduce_sum3A_103 [1] : vector<20x1024xf32> to vector<20xf32>
      %broadcast_in_dim3A_105 = vector.shape_cast %reduce_sum3A_104 : vector<20xf32> to vector<20x1xf32>
      %jit3A_106 = arith.constant 0.000000e+00 : f32
      %broadcast_in_dim3A_107 = vector.broadcast %jit3A_106 : f32 to vector<20x1024xf32>
      %select_n3A_108 = arith.select %eq3A_94, %get3A_76, %broadcast_in_dim3A_107 : vector<20x1024xi1>, vector<20x1024xf32>
      %reduce_sum3A_109 = arith.constant dense<0.000000e+00> : vector<20xf32>
      %reduce_sum3A_110 = vector.multi_reduction <add>, %select_n3A_108, %reduce_sum3A_109 [1] : vector<20x1024xf32> to vector<20xf32>
      %broadcast_in_dim3A_111 = vector.shape_cast %reduce_sum3A_110 : vector<20xf32> to vector<20x1xf32>
      %jit3A_112 = arith.constant 0.000000e+00 : f32
      %broadcast_in_dim3A_113 = vector.broadcast %jit3A_112 : f32 to vector<20x1024xf32>
      %select_n3A_114 = arith.select %eq3A_94, %get3A_79, %broadcast_in_dim3A_113 : vector<20x1024xi1>, vector<20x1024xf32>
      %reduce_sum3A_115 = arith.constant dense<0.000000e+00> : vector<20xf32>
      %reduce_sum3A_116 = vector.multi_reduction <add>, %select_n3A_114, %reduce_sum3A_115 [1] : vector<20x1024xf32> to vector<20xf32>
      %broadcast_in_dim3A_117 = vector.shape_cast %reduce_sum3A_116 : vector<20xf32> to vector<20x1xf32>
      %get3A_118 = arith.constant 0 : index
      %get3A_119 = arith.constant 0 : index
      %get3A_120 = vector.load %arg8[%get3A_118, %get3A_119] : memref<20x1024xi32, #tpu.memory_space<vmem>>, vector<20x1024xi32>
      %max3A_121 = vector.broadcast %broadcast_in_dim3A_99 : vector<20x1xf32> to vector<20x1024xf32>
      %max3A_122 = arith.maximumf %max3A_121, %get3A_70 : vector<20x1024xf32>
      %max3A_123 = vector.broadcast %broadcast_in_dim3A_105 : vector<20x1xf32> to vector<20x1024xf32>
      %max3A_124 = arith.maximumf %max3A_123, %get3A_73 : vector<20x1024xf32>
      %min3A = vector.broadcast %broadcast_in_dim3A_111 : vector<20x1xf32> to vector<20x1024xf32>
      %min3A_125 = arith.minimumf %min3A, %get3A_76 : vector<20x1024xf32>
      %min3A_126 = vector.broadcast %broadcast_in_dim3A_117 : vector<20x1xf32> to vector<20x1024xf32>
      %min3A_127 = arith.minimumf %min3A_126, %get3A_79 : vector<20x1024xf32>
      %sub3A_128 = arith.subf %min3A_125, %max3A_122 : vector<20x1024xf32>
      %max3A_129 = arith.constant 0.000000e+00 : f32
      %max3A_130 = vector.broadcast %max3A_129 : f32 to vector<20x1024xf32>
      %max3A_131 = arith.maximumf %sub3A_128, %max3A_130 : vector<20x1024xf32>
      %sub3A_132 = arith.subf %min3A_127, %max3A_124 : vector<20x1024xf32>
      %max3A_133 = arith.constant 0.000000e+00 : f32
      %max3A_134 = vector.broadcast %max3A_133 : f32 to vector<20x1024xf32>
      %max3A_135 = arith.maximumf %sub3A_132, %max3A_134 : vector<20x1024xf32>
      %mul3A_136 = arith.mulf %max3A_131, %max3A_135 : vector<20x1024xf32>
      %sub3A_137 = arith.subf %broadcast_in_dim3A_111, %broadcast_in_dim3A_99 : vector<20x1xf32>
      %max3A_138 = arith.constant 0.000000e+00 : f32
      %max3A_139 = vector.broadcast %max3A_138 : f32 to vector<20x1xf32>
      %max3A_140 = arith.maximumf %sub3A_137, %max3A_139 : vector<20x1xf32>
      %sub3A_141 = arith.subf %broadcast_in_dim3A_117, %broadcast_in_dim3A_105 : vector<20x1xf32>
      %max3A_142 = arith.constant 0.000000e+00 : f32
      %max3A_143 = vector.broadcast %max3A_142 : f32 to vector<20x1xf32>
      %max3A_144 = arith.maximumf %sub3A_141, %max3A_143 : vector<20x1xf32>
      %mul3A_145 = arith.mulf %max3A_140, %max3A_144 : vector<20x1xf32>
      %get3A_146 = arith.constant 0 : index
      %get3A_147 = arith.constant 0 : index
      %get3A_148 = vector.load %arg9[%get3A_146, %get3A_147] : memref<20x1024xf32, #tpu.memory_space<vmem>>, vector<20x1024xf32>
      %add3A_149 = vector.broadcast %mul3A_145 : vector<20x1xf32> to vector<20x1024xf32>
      %add3A_150 = arith.addf %add3A_149, %get3A_148 : vector<20x1024xf32>
      %sub3A_151 = arith.subf %add3A_150, %mul3A_136 : vector<20x1024xf32>
      %max3A_152 = arith.constant 9.99999993E-9 : f32
      %max3A_153 = vector.broadcast %max3A_152 : f32 to vector<20x1024xf32>
      %max3A_154 = arith.maximumf %sub3A_151, %max3A_153 : vector<20x1024xf32>
      %div3A = arith.divf %mul3A_136, %max3A_154 : vector<20x1024xf32>
      %ge3A = arith.constant 4.500000e-01 : f32
      %ge3A_155 = vector.broadcast %ge3A : f32 to vector<20x1024xf32>
      %ge3A_156 = arith.cmpf oge, %div3A, %ge3A_155 : vector<20x1024xf32>
      %jit3A_157 = arith.constant -1073741824 : i32
      %broadcast_in_dim3A_158 = vector.broadcast %jit3A_157 : i32 to vector<20x1024xi32>
      %select_n3A_159 = arith.select %ge3A_156, %broadcast_in_dim3A_158, %get3A_120 : vector<20x1024xi1>, vector<20x1024xi32>
      %swap3A_160 = arith.constant 0 : index
      %swap3A_161 = arith.constant 0 : index
      %swap3A_162 = vector.load %arg8[%swap3A_160, %swap3A_161] : memref<20x1024xi32, #tpu.memory_space<vmem>>, vector<20x1024xi32>
      tpu.vector_store %arg8[%swap3A_160, %swap3A_161], %select_n3A_159 {strides = array<i32>} : memref<20x1024xi32, #tpu.memory_space<vmem>>, vector<20x1024xi32>,
      %reduce_max3A_163 = arith.constant dense<-2147483648> : vector<20xi32>
      %reduce_max3A_164 = vector.multi_reduction <maxsi>, %select_n3A_159, %reduce_max3A_163 [1] : vector<20x1024xi32> to vector<20xi32>
      %broadcast_in_dim3A_165 = vector.shape_cast %reduce_max3A_164 : vector<20xi32> to vector<20x1xi32>
      %eq3A_166 = vector.broadcast %scan3A_65 : i32 to vector<20x256xi32>
      %eq3A_167 = arith.cmpi eq, %iota3A_24, %eq3A_166 : vector<20x256xi32>
      %and3A_168 = vector.broadcast %gt3A_82 : vector<20x1xi1> to vector<20x256xi1>
      %and3A_169 = arith.andi %eq3A_167, %and3A_168 : vector<20x256xi1>
      %get3A_170 = arith.constant 0 : index
      %get3A_171 = arith.constant 0 : index
      %get3A_172 = arith.constant 0 : index
      %get3A_173 = vector.load %arg7[%get3A_170, %get3A_171, %get3A_172] : memref<5x20x256xf32, #tpu.memory_space<vmem>>, vector<1x20x256xf32>
      %get3A_174 = vector.shape_cast %get3A_173 : vector<1x20x256xf32> to vector<20x256xf32>
      %broadcast_in_dim3A_175 = vector.shape_cast %broadcast_in_dim3A_99 : vector<20x1xf32> to vector<20x1xf32>
      %broadcast_in_dim3A_176 = vector.broadcast %broadcast_in_dim3A_175 : vector<20x1xf32> to vector<20x256xf32>
      %select_n3A_177 = arith.select %and3A_169, %broadcast_in_dim3A_176, %get3A_174 : vector<20x256xi1>, vector<20x256xf32>
      %swap3A_178 = arith.constant 0 : index
      %swap3A_179 = arith.constant 0 : index
      %swap3A_180 = arith.constant 0 : index
      %swap3A_181 = vector.load %arg7[%swap3A_178, %swap3A_179, %swap3A_180] : memref<5x20x256xf32, #tpu.memory_space<vmem>>, vector<1x20x256xf32>
      %swap3A_182 = vector.shape_cast %swap3A_181 : vector<1x20x256xf32> to vector<20x256xf32>
      %swap3A_183 = vector.shape_cast %select_n3A_177 : vector<20x256xf32> to vector<1x20x256xf32>
      tpu.vector_store %arg7[%swap3A_178, %swap3A_179, %swap3A_180], %swap3A_183 {strides = array<i32>} : memref<5x20x256xf32, #tpu.memory_space<vmem>>, vector<1x20x256xf32>,
      %get3A_184 = arith.constant 1 : index
      %get3A_185 = arith.constant 0 : index
      %get3A_186 = arith.constant 0 : index
      %get3A_187 = vector.load %arg7[%get3A_184, %get3A_185, %get3A_186] : memref<5x20x256xf32, #tpu.memory_space<vmem>>, vector<1x20x256xf32>
      %get3A_188 = vector.shape_cast %get3A_187 : vector<1x20x256xf32> to vector<20x256xf32>
      %broadcast_in_dim3A_189 = vector.shape_cast %broadcast_in_dim3A_105 : vector<20x1xf32> to vector<20x1xf32>
      %broadcast_in_dim3A_190 = vector.broadcast %broadcast_in_dim3A_189 : vector<20x1xf32> to vector<20x256xf32>
      %select_n3A_191 = arith.select %and3A_169, %broadcast_in_dim3A_190, %get3A_188 : vector<20x256xi1>, vector<20x256xf32>
      %swap3A_192 = arith.constant 1 : index
      %swap3A_193 = arith.constant 0 : index
      %swap3A_194 = arith.constant 0 : index
      %swap3A_195 = vector.load %arg7[%swap3A_192, %swap3A_193, %swap3A_194] : memref<5x20x256xf32, #tpu.memory_space<vmem>>, vector<1x20x256xf32>
      %swap3A_196 = vector.shape_cast %swap3A_195 : vector<1x20x256xf32> to vector<20x256xf32>
      %swap3A_197 = vector.shape_cast %select_n3A_191 : vector<20x256xf32> to vector<1x20x256xf32>
      tpu.vector_store %arg7[%swap3A_192, %swap3A_193, %swap3A_194], %swap3A_197 {strides = array<i32>} : memref<5x20x256xf32, #tpu.memory_space<vmem>>, vector<1x20x256xf32>,
      %get3A_198 = arith.constant 2 : index
      %get3A_199 = arith.constant 0 : index
      %get3A_200 = arith.constant 0 : index
      %get3A_201 = vector.load %arg7[%get3A_198, %get3A_199, %get3A_200] : memref<5x20x256xf32, #tpu.memory_space<vmem>>, vector<1x20x256xf32>
      %get3A_202 = vector.shape_cast %get3A_201 : vector<1x20x256xf32> to vector<20x256xf32>
      %broadcast_in_dim3A_203 = vector.shape_cast %broadcast_in_dim3A_111 : vector<20x1xf32> to vector<20x1xf32>
      %broadcast_in_dim3A_204 = vector.broadcast %broadcast_in_dim3A_203 : vector<20x1xf32> to vector<20x256xf32>
      %select_n3A_205 = arith.select %and3A_169, %broadcast_in_dim3A_204, %get3A_202 : vector<20x256xi1>, vector<20x256xf32>
      %swap3A_206 = arith.constant 2 : index
      %swap3A_207 = arith.constant 0 : index
      %swap3A_208 = arith.constant 0 : index
      %swap3A_209 = vector.load %arg7[%swap3A_206, %swap3A_207, %swap3A_208] : memref<5x20x256xf32, #tpu.memory_space<vmem>>, vector<1x20x256xf32>
      %swap3A_210 = vector.shape_cast %swap3A_209 : vector<1x20x256xf32> to vector<20x256xf32>
      %swap3A_211 = vector.shape_cast %select_n3A_205 : vector<20x256xf32> to vector<1x20x256xf32>
      tpu.vector_store %arg7[%swap3A_206, %swap3A_207, %swap3A_208], %swap3A_211 {strides = array<i32>} : memref<5x20x256xf32, #tpu.memory_space<vmem>>, vector<1x20x256xf32>,
      %get3A_212 = arith.constant 3 : index
      %get3A_213 = arith.constant 0 : index
      %get3A_214 = arith.constant 0 : index
      %get3A_215 = vector.load %arg7[%get3A_212, %get3A_213, %get3A_214] : memref<5x20x256xf32, #tpu.memory_space<vmem>>, vector<1x20x256xf32>
      %get3A_216 = vector.shape_cast %get3A_215 : vector<1x20x256xf32> to vector<20x256xf32>
      %broadcast_in_dim3A_217 = vector.shape_cast %broadcast_in_dim3A_117 : vector<20x1xf32> to vector<20x1xf32>
      %broadcast_in_dim3A_218 = vector.broadcast %broadcast_in_dim3A_217 : vector<20x1xf32> to vector<20x256xf32>
      %select_n3A_219 = arith.select %and3A_169, %broadcast_in_dim3A_218, %get3A_216 : vector<20x256xi1>, vector<20x256xf32>
      %swap3A_220 = arith.constant 3 : index
      %swap3A_221 = arith.constant 0 : index
      %swap3A_222 = arith.constant 0 : index
      %swap3A_223 = vector.load %arg7[%swap3A_220, %swap3A_221, %swap3A_222] : memref<5x20x256xf32, #tpu.memory_space<vmem>>, vector<1x20x256xf32>
      %swap3A_224 = vector.shape_cast %swap3A_223 : vector<1x20x256xf32> to vector<20x256xf32>
      %swap3A_225 = vector.shape_cast %select_n3A_219 : vector<20x256xf32> to vector<1x20x256xf32>
      tpu.vector_store %arg7[%swap3A_220, %swap3A_221, %swap3A_222], %swap3A_225 {strides = array<i32>} : memref<5x20x256xf32, #tpu.memory_space<vmem>>, vector<1x20x256xf32>,
      %get3A_226 = arith.constant 4 : index
      %get3A_227 = arith.constant 0 : index
      %get3A_228 = arith.constant 0 : index
      %get3A_229 = vector.load %arg7[%get3A_226, %get3A_227, %get3A_228] : memref<5x20x256xf32, #tpu.memory_space<vmem>>, vector<1x20x256xf32>
      %get3A_230 = vector.shape_cast %get3A_229 : vector<1x20x256xf32> to vector<20x256xf32>
      %broadcast_in_dim3A_231 = vector.shape_cast %bitcast_convert_type3A_93 : vector<20x1xf32> to vector<20x1xf32>
      %broadcast_in_dim3A_232 = vector.broadcast %broadcast_in_dim3A_231 : vector<20x1xf32> to vector<20x256xf32>
      %select_n3A_233 = arith.select %and3A_169, %broadcast_in_dim3A_232, %get3A_230 : vector<20x256xi1>, vector<20x256xf32>
      %swap3A_234 = arith.constant 4 : index
      %swap3A_235 = arith.constant 0 : index
      %swap3A_236 = arith.constant 0 : index
      %swap3A_237 = vector.load %arg7[%swap3A_234, %swap3A_235, %swap3A_236] : memref<5x20x256xf32, #tpu.memory_space<vmem>>, vector<1x20x256xf32>
      %swap3A_238 = vector.shape_cast %swap3A_237 : vector<1x20x256xf32> to vector<20x256xf32>
      %swap3A_239 = vector.shape_cast %select_n3A_233 : vector<20x256xf32> to vector<1x20x256xf32>
      tpu.vector_store %arg7[%swap3A_234, %swap3A_235, %swap3A_236], %swap3A_239 {strides = array<i32>} : memref<5x20x256xf32, #tpu.memory_space<vmem>>, vector<1x20x256xf32>,
      %convert_element_type3A_240 = arith.extui %gt3A_82 : vector<20x1xi1> to vector<20x1xi32>
      %add3A_241 = arith.addi %scan3A_66, %convert_element_type3A_240 : vector<20x1xi32>
      %scan3A_242 = arith.constant 1 : i32
      %scan3A_243 = arith.addi %scan3A_65, %scan3A_242 : i32
      %get3A_244 = arith.constant 0 : index
      %get3A_245 = arith.constant 0 : index
      %get3A_246 = vector.load %arg1[%get3A_244, %get3A_245] : memref<20x1024xf32, #tpu.memory_space<vmem>>, vector<20x1024xf32>
      %get3A_247 = arith.constant 0 : index
      %get3A_248 = arith.constant 0 : index
      %get3A_249 = vector.load %arg2[%get3A_247, %get3A_248] : memref<20x1024xf32, #tpu.memory_space<vmem>>, vector<20x1024xf32>
      %get3A_250 = arith.constant 0 : index
      %get3A_251 = arith.constant 0 : index
      %get3A_252 = vector.load %arg3[%get3A_250, %get3A_251] : memref<20x1024xf32, #tpu.memory_space<vmem>>, vector<20x1024xf32>
      %get3A_253 = arith.constant 0 : index
      %get3A_254 = arith.constant 0 : index
      %get3A_255 = vector.load %arg4[%get3A_253, %get3A_254] : memref<20x1024xf32, #tpu.memory_space<vmem>>, vector<20x1024xf32>
      %gt3A_256 = arith.constant 0 : i32
      %gt3A_257 = vector.broadcast %gt3A_256 : i32 to vector<20x1xi32>
      %gt3A_258 = arith.cmpi sgt, %broadcast_in_dim3A_165, %gt3A_257 : vector<20x1xi32>
      %and3A_259 = arith.constant 1023 : i32
      %and3A_260 = vector.broadcast %and3A_259 : i32 to vector<20x1xi32>
      %and3A_261 = arith.andi %broadcast_in_dim3A_165, %and3A_260 : vector<20x1xi32>
      %sub3A_262 = arith.constant 1023 : i32
      %sub3A_263 = vector.broadcast %sub3A_262 : i32 to vector<20x1xi32>
      %sub3A_264 = arith.subi %sub3A_263, %and3A_261 : vector<20x1xi32>
      %shift_right_logical3A_265 = arith.constant 10 : i32
      %shift_right_logical3A_266 = vector.broadcast %shift_right_logical3A_265 : i32 to vector<20x1xi32>
      %shift_right_logical3A_267 = arith.shrui %broadcast_in_dim3A_165, %shift_right_logical3A_266 : vector<20x1xi32>
      %add3A_268 = arith.constant 1064682127 : i32
      %add3A_269 = vector.broadcast %add3A_268 : i32 to vector<20x1xi32>
      %add3A_270 = arith.addi %shift_right_logical3A_267, %add3A_269 : vector<20x1xi32>
      %bitcast_convert_type3A_271 = tpu.bitcast %add3A_270 : vector<20x1xi32> -> vector<20x1xf32>
      %eq3A_272 = vector.broadcast %sub3A_264 : vector<20x1xi32> to vector<20x1024xi32>
      %eq3A_273 = arith.cmpi eq, %iota3A, %eq3A_272 : vector<20x1024xi32>
      %jit3A_274 = arith.constant 0.000000e+00 : f32
      %broadcast_in_dim3A_275 = vector.broadcast %jit3A_274 : f32 to vector<20x1024xf32>
      %select_n3A_276 = arith.select %eq3A_273, %get3A_246, %broadcast_in_dim3A_275 : vector<20x1024xi1>, vector<20x1024xf32>
      %reduce_sum3A_277 = arith.constant dense<0.000000e+00> : vector<20xf32>
      %reduce_sum3A_278 = vector.multi_reduction <add>, %select_n3A_276, %reduce_sum3A_277 [1] : vector<20x1024xf32> to vector<20xf32>
      %broadcast_in_dim3A_279 = vector.shape_cast %reduce_sum3A_278 : vector<20xf32> to vector<20x1xf32>
      %jit3A_280 = arith.constant 0.000000e+00 : f32
      %broadcast_in_dim3A_281 = vector.broadcast %jit3A_280 : f32 to vector<20x1024xf32>
      %select_n3A_282 = arith.select %eq3A_273, %get3A_249, %broadcast_in_dim3A_281 : vector<20x1024xi1>, vector<20x1024xf32>
      %reduce_sum3A_283 = arith.constant dense<0.000000e+00> : vector<20xf32>
      %reduce_sum3A_284 = vector.multi_reduction <add>, %select_n3A_282, %reduce_sum3A_283 [1] : vector<20x1024xf32> to vector<20xf32>
      %broadcast_in_dim3A_285 = vector.shape_cast %reduce_sum3A_284 : vector<20xf32> to vector<20x1xf32>
      %jit3A_286 = arith.constant 0.000000e+00 : f32
      %broadcast_in_dim3A_287 = vector.broadcast %jit3A_286 : f32 to vector<20x1024xf32>
      %select_n3A_288 = arith.select %eq3A_273, %get3A_252, %broadcast_in_dim3A_287 : vector<20x1024xi1>, vector<20x1024xf32>
      %reduce_sum3A_289 = arith.constant dense<0.000000e+00> : vector<20xf32>
      %reduce_sum3A_290 = vector.multi_reduction <add>, %select_n3A_288, %reduce_sum3A_289 [1] : vector<20x1024xf32> to vector<20xf32>
      %broadcast_in_dim3A_291 = vector.shape_cast %reduce_sum3A_290 : vector<20xf32> to vector<20x1xf32>
      %jit3A_292 = arith.constant 0.000000e+00 : f32
      %broadcast_in_dim3A_293 = vector.broadcast %jit3A_292 : f32 to vector<20x1024xf32>
      %select_n3A_294 = arith.select %eq3A_273, %get3A_255, %broadcast_in_dim3A_293 : vector<20x1024xi1>, vector<20x1024xf32>
      %reduce_sum3A_295 = arith.constant dense<0.000000e+00> : vector<20xf32>
      %reduce_sum3A_296 = vector.multi_reduction <add>, %select_n3A_294, %reduce_sum3A_295 [1] : vector<20x1024xf32> to vector<20xf32>
      %broadcast_in_dim3A_297 = vector.shape_cast %reduce_sum3A_296 : vector<20xf32> to vector<20x1xf32>
      %get3A_298 = arith.constant 0 : index
      %get3A_299 = arith.constant 0 : index
      %get3A_300 = vector.load %arg8[%get3A_298, %get3A_299] : memref<20x1024xi32, #tpu.memory_space<vmem>>, vector<20x1024xi32>
      %max3A_301 = vector.broadcast %broadcast_in_dim3A_279 : vector<20x1xf32> to vector<20x1024xf32>
      %max3A_302 = arith.maximumf %max3A_301, %get3A_246 : vector<20x1024xf32>
      %max3A_303 = vector.broadcast %broadcast_in_dim3A_285 : vector<20x1xf32> to vector<20x1024xf32>
      %max3A_304 = arith.maximumf %max3A_303, %get3A_249 : vector<20x1024xf32>
      %min3A_305 = vector.broadcast %broadcast_in_dim3A_291 : vector<20x1xf32> to vector<20x1024xf32>
      %min3A_306 = arith.minimumf %min3A_305, %get3A_252 : vector<20x1024xf32>
      %min3A_307 = vector.broadcast %broadcast_in_dim3A_297 : vector<20x1xf32> to vector<20x1024xf32>
      %min3A_308 = arith.minimumf %min3A_307, %get3A_255 : vector<20x1024xf32>
      %sub3A_309 = arith.subf %min3A_306, %max3A_302 : vector<20x1024xf32>
      %max3A_310 = arith.constant 0.000000e+00 : f32
      %max3A_311 = vector.broadcast %max3A_310 : f32 to vector<20x1024xf32>
      %max3A_312 = arith.maximumf %sub3A_309, %max3A_311 : vector<20x1024xf32>
      %sub3A_313 = arith.subf %min3A_308, %max3A_304 : vector<20x1024xf32>
      %max3A_314 = arith.constant 0.000000e+00 : f32
      %max3A_315 = vector.broadcast %max3A_314 : f32 to vector<20x1024xf32>
      %max3A_316 = arith.maximumf %sub3A_313, %max3A_315 : vector<20x1024xf32>
      %mul3A_317 = arith.mulf %max3A_312, %max3A_316 : vector<20x1024xf32>
      %sub3A_318 = arith.subf %broadcast_in_dim3A_291, %broadcast_in_dim3A_279 : vector<20x1xf32>
      %max3A_319 = arith.constant 0.000000e+00 : f32
      %max3A_320 = vector.broadcast %max3A_319 : f32 to vector<20x1xf32>
      %max3A_321 = arith.maximumf %sub3A_318, %max3A_320 : vector<20x1xf32>
      %sub3A_322 = arith.subf %broadcast_in_dim3A_297, %broadcast_in_dim3A_285 : vector<20x1xf32>
      %max3A_323 = arith.constant 0.000000e+00 : f32
      %max3A_324 = vector.broadcast %max3A_323 : f32 to vector<20x1xf32>
      %max3A_325 = arith.maximumf %sub3A_322, %max3A_324 : vector<20x1xf32>
      %mul3A_326 = arith.mulf %max3A_321, %max3A_325 : vector<20x1xf32>
      %get3A_327 = arith.constant 0 : index
      %get3A_328 = arith.constant 0 : index
      %get3A_329 = vector.load %arg9[%get3A_327, %get3A_328] : memref<20x1024xf32, #tpu.memory_space<vmem>>, vector<20x1024xf32>
      %add3A_330 = vector.broadcast %mul3A_326 : vector<20x1xf32> to vector<20x1024xf32>
      %add3A_331 = arith.addf %add3A_330, %get3A_329 : vector<20x1024xf32>
      %sub3A_332 = arith.subf %add3A_331, %mul3A_317 : vector<20x1024xf32>
      %max3A_333 = arith.constant 9.99999993E-9 : f32
      %max3A_334 = vector.broadcast %max3A_333 : f32 to vector<20x1024xf32>
      %max3A_335 = arith.maximumf %sub3A_332, %max3A_334 : vector<20x1024xf32>
      %div3A_336 = arith.divf %mul3A_317, %max3A_335 : vector<20x1024xf32>
      %ge3A_337 = arith.constant 4.500000e-01 : f32
      %ge3A_338 = vector.broadcast %ge3A_337 : f32 to vector<20x1024xf32>
      %ge3A_339 = arith.cmpf oge, %div3A_336, %ge3A_338 : vector<20x1024xf32>
      %jit3A_340 = arith.constant -1073741824 : i32
      %broadcast_in_dim3A_341 = vector.broadcast %jit3A_340 : i32 to vector<20x1024xi32>
      %select_n3A_342 = arith.select %ge3A_339, %broadcast_in_dim3A_341, %get3A_300 : vector<20x1024xi1>, vector<20x1024xi32>
      %swap3A_343 = arith.constant 0 : index
      %swap3A_344 = arith.constant 0 : index
      %swap3A_345 = vector.load %arg8[%swap3A_343, %swap3A_344] : memref<20x1024xi32, #tpu.memory_space<vmem>>, vector<20x1024xi32>
      tpu.vector_store %arg8[%swap3A_343, %swap3A_344], %select_n3A_342 {strides = array<i32>} : memref<20x1024xi32, #tpu.memory_space<vmem>>, vector<20x1024xi32>,
      %reduce_max3A_346 = arith.constant dense<-2147483648> : vector<20xi32>
      %reduce_max3A_347 = vector.multi_reduction <maxsi>, %select_n3A_342, %reduce_max3A_346 [1] : vector<20x1024xi32> to vector<20xi32>
      %broadcast_in_dim3A_348 = vector.shape_cast %reduce_max3A_347 : vector<20xi32> to vector<20x1xi32>
      %eq3A_349 = vector.broadcast %scan3A_243 : i32 to vector<20x256xi32>
      %eq3A_350 = arith.cmpi eq, %iota3A_24, %eq3A_349 : vector<20x256xi32>
      %and3A_351 = vector.broadcast %gt3A_258 : vector<20x1xi1> to vector<20x256xi1>
      %and3A_352 = arith.andi %eq3A_350, %and3A_351 : vector<20x256xi1>
      %get3A_353 = arith.constant 0 : index
      %get3A_354 = arith.constant 0 : index
      %get3A_355 = arith.constant 0 : index
      %get3A_356 = vector.load %arg7[%get3A_353, %get3A_354, %get3A_355] : memref<5x20x256xf32, #tpu.memory_space<vmem>>, vector<1x20x256xf32>
      %get3A_357 = vector.shape_cast %get3A_356 : vector<1x20x256xf32> to vector<20x256xf32>
      %broadcast_in_dim3A_358 = vector.shape_cast %broadcast_in_dim3A_279 : vector<20x1xf32> to vector<20x1xf32>
      %broadcast_in_dim3A_359 = vector.broadcast %broadcast_in_dim3A_358 : vector<20x1xf32> to vector<20x256xf32>
      %select_n3A_360 = arith.select %and3A_352, %broadcast_in_dim3A_359, %get3A_357 : vector<20x256xi1>, vector<20x256xf32>
      %swap3A_361 = arith.constant 0 : index
      %swap3A_362 = arith.constant 0 : index
      %swap3A_363 = arith.constant 0 : index
      %swap3A_364 = vector.load %arg7[%swap3A_361, %swap3A_362, %swap3A_363] : memref<5x20x256xf32, #tpu.memory_space<vmem>>, vector<1x20x256xf32>
      %swap3A_365 = vector.shape_cast %swap3A_364 : vector<1x20x256xf32> to vector<20x256xf32>
      %swap3A_366 = vector.shape_cast %select_n3A_360 : vector<20x256xf32> to vector<1x20x256xf32>
      tpu.vector_store %arg7[%swap3A_361, %swap3A_362, %swap3A_363], %swap3A_366 {strides = array<i32>} : memref<5x20x256xf32, #tpu.memory_space<vmem>>, vector<1x20x256xf32>,
      %get3A_367 = arith.constant 1 : index
      %get3A_368 = arith.constant 0 : index
      %get3A_369 = arith.constant 0 : index
      %get3A_370 = vector.load %arg7[%get3A_367, %get3A_368, %get3A_369] : memref<5x20x256xf32, #tpu.memory_space<vmem>>, vector<1x20x256xf32>
      %get3A_371 = vector.shape_cast %get3A_370 : vector<1x20x256xf32> to vector<20x256xf32>
      %broadcast_in_dim3A_372 = vector.shape_cast %broadcast_in_dim3A_285 : vector<20x1xf32> to vector<20x1xf32>
      %broadcast_in_dim3A_373 = vector.broadcast %broadcast_in_dim3A_372 : vector<20x1xf32> to vector<20x256xf32>
      %select_n3A_374 = arith.select %and3A_352, %broadcast_in_dim3A_373, %get3A_371 : vector<20x256xi1>, vector<20x256xf32>
      %swap3A_375 = arith.constant 1 : index
      %swap3A_376 = arith.constant 0 : index
      %swap3A_377 = arith.constant 0 : index
      %swap3A_378 = vector.load %arg7[%swap3A_375, %swap3A_376, %swap3A_377] : memref<5x20x256xf32, #tpu.memory_space<vmem>>, vector<1x20x256xf32>
      %swap3A_379 = vector.shape_cast %swap3A_378 : vector<1x20x256xf32> to vector<20x256xf32>
      %swap3A_380 = vector.shape_cast %select_n3A_374 : vector<20x256xf32> to vector<1x20x256xf32>
      tpu.vector_store %arg7[%swap3A_375, %swap3A_376, %swap3A_377], %swap3A_380 {strides = array<i32>} : memref<5x20x256xf32, #tpu.memory_space<vmem>>, vector<1x20x256xf32>,
      %get3A_381 = arith.constant 2 : index
      %get3A_382 = arith.constant 0 : index
      %get3A_383 = arith.constant 0 : index
      %get3A_384 = vector.load %arg7[%get3A_381, %get3A_382, %get3A_383] : memref<5x20x256xf32, #tpu.memory_space<vmem>>, vector<1x20x256xf32>
      %get3A_385 = vector.shape_cast %get3A_384 : vector<1x20x256xf32> to vector<20x256xf32>
      %broadcast_in_dim3A_386 = vector.shape_cast %broadcast_in_dim3A_291 : vector<20x1xf32> to vector<20x1xf32>
      %broadcast_in_dim3A_387 = vector.broadcast %broadcast_in_dim3A_386 : vector<20x1xf32> to vector<20x256xf32>
      %select_n3A_388 = arith.select %and3A_352, %broadcast_in_dim3A_387, %get3A_385 : vector<20x256xi1>, vector<20x256xf32>
      %swap3A_389 = arith.constant 2 : index
      %swap3A_390 = arith.constant 0 : index
      %swap3A_391 = arith.constant 0 : index
      %swap3A_392 = vector.load %arg7[%swap3A_389, %swap3A_390, %swap3A_391] : memref<5x20x256xf32, #tpu.memory_space<vmem>>, vector<1x20x256xf32>
      %swap3A_393 = vector.shape_cast %swap3A_392 : vector<1x20x256xf32> to vector<20x256xf32>
      %swap3A_394 = vector.shape_cast %select_n3A_388 : vector<20x256xf32> to vector<1x20x256xf32>
      tpu.vector_store %arg7[%swap3A_389, %swap3A_390, %swap3A_391], %swap3A_394 {strides = array<i32>} : memref<5x20x256xf32, #tpu.memory_space<vmem>>, vector<1x20x256xf32>,
      %get3A_395 = arith.constant 3 : index
      %get3A_396 = arith.constant 0 : index
      %get3A_397 = arith.constant 0 : index
      %get3A_398 = vector.load %arg7[%get3A_395, %get3A_396, %get3A_397] : memref<5x20x256xf32, #tpu.memory_space<vmem>>, vector<1x20x256xf32>
      %get3A_399 = vector.shape_cast %get3A_398 : vector<1x20x256xf32> to vector<20x256xf32>
      %broadcast_in_dim3A_400 = vector.shape_cast %broadcast_in_dim3A_297 : vector<20x1xf32> to vector<20x1xf32>
      %broadcast_in_dim3A_401 = vector.broadcast %broadcast_in_dim3A_400 : vector<20x1xf32> to vector<20x256xf32>
      %select_n3A_402 = arith.select %and3A_352, %broadcast_in_dim3A_401, %get3A_399 : vector<20x256xi1>, vector<20x256xf32>
      %swap3A_403 = arith.constant 3 : index
      %swap3A_404 = arith.constant 0 : index
      %swap3A_405 = arith.constant 0 : index
      %swap3A_406 = vector.load %arg7[%swap3A_403, %swap3A_404, %swap3A_405] : memref<5x20x256xf32, #tpu.memory_space<vmem>>, vector<1x20x256xf32>
      %swap3A_407 = vector.shape_cast %swap3A_406 : vector<1x20x256xf32> to vector<20x256xf32>
      %swap3A_408 = vector.shape_cast %select_n3A_402 : vector<20x256xf32> to vector<1x20x256xf32>
      tpu.vector_store %arg7[%swap3A_403, %swap3A_404, %swap3A_405], %swap3A_408 {strides = array<i32>} : memref<5x20x256xf32, #tpu.memory_space<vmem>>, vector<1x20x256xf32>,
      %get3A_409 = arith.constant 4 : index
      %get3A_410 = arith.constant 0 : index
      %get3A_411 = arith.constant 0 : index
      %get3A_412 = vector.load %arg7[%get3A_409, %get3A_410, %get3A_411] : memref<5x20x256xf32, #tpu.memory_space<vmem>>, vector<1x20x256xf32>
      %get3A_413 = vector.shape_cast %get3A_412 : vector<1x20x256xf32> to vector<20x256xf32>
      %broadcast_in_dim3A_414 = vector.shape_cast %bitcast_convert_type3A_271 : vector<20x1xf32> to vector<20x1xf32>
      %broadcast_in_dim3A_415 = vector.broadcast %broadcast_in_dim3A_414 : vector<20x1xf32> to vector<20x256xf32>
      %select_n3A_416 = arith.select %and3A_352, %broadcast_in_dim3A_415, %get3A_413 : vector<20x256xi1>, vector<20x256xf32>
      %swap3A_417 = arith.constant 4 : index
      %swap3A_418 = arith.constant 0 : index
      %swap3A_419 = arith.constant 0 : index
      %swap3A_420 = vector.load %arg7[%swap3A_417, %swap3A_418, %swap3A_419] : memref<5x20x256xf32, #tpu.memory_space<vmem>>, vector<1x20x256xf32>
      %swap3A_421 = vector.shape_cast %swap3A_420 : vector<1x20x256xf32> to vector<20x256xf32>
      %swap3A_422 = vector.shape_cast %select_n3A_416 : vector<20x256xf32> to vector<1x20x256xf32>
      tpu.vector_store %arg7[%swap3A_417, %swap3A_418, %swap3A_419], %swap3A_422 {strides = array<i32>} : memref<5x20x256xf32, #tpu.memory_space<vmem>>, vector<1x20x256xf32>,
      %convert_element_type3A_423 = arith.extui %gt3A_258 : vector<20x1xi1> to vector<20x1xi32>
      %add3A_424 = arith.addi %add3A_241, %convert_element_type3A_423 : vector<20x1xi32>
      %scan3A_425 = arith.constant 2 : i32
      %scan3A_426 = arith.addi %scan3A_65, %scan3A_425 : i32
      %get3A_427 = arith.constant 0 : index
      %get3A_428 = arith.constant 0 : index
      %get3A_429 = vector.load %arg1[%get3A_427, %get3A_428] : memref<20x1024xf32, #tpu.memory_space<vmem>>, vector<20x1024xf32>
      %get3A_430 = arith.constant 0 : index
      %get3A_431 = arith.constant 0 : index
      %get3A_432 = vector.load %arg2[%get3A_430, %get3A_431] : memref<20x1024xf32, #tpu.memory_space<vmem>>, vector<20x1024xf32>
      %get3A_433 = arith.constant 0 : index
      %get3A_434 = arith.constant 0 : index
      %get3A_435 = vector.load %arg3[%get3A_433, %get3A_434] : memref<20x1024xf32, #tpu.memory_space<vmem>>, vector<20x1024xf32>
      %get3A_436 = arith.constant 0 : index
      %get3A_437 = arith.constant 0 : index
      %get3A_438 = vector.load %arg4[%get3A_436, %get3A_437] : memref<20x1024xf32, #tpu.memory_space<vmem>>, vector<20x1024xf32>
      %gt3A_439 = arith.constant 0 : i32
      %gt3A_440 = vector.broadcast %gt3A_439 : i32 to vector<20x1xi32>
      %gt3A_441 = arith.cmpi sgt, %broadcast_in_dim3A_348, %gt3A_440 : vector<20x1xi32>
      %and3A_442 = arith.constant 1023 : i32
      %and3A_443 = vector.broadcast %and3A_442 : i32 to vector<20x1xi32>
      %and3A_444 = arith.andi %broadcast_in_dim3A_348, %and3A_443 : vector<20x1xi32>
      %sub3A_445 = arith.constant 1023 : i32
      %sub3A_446 = vector.broadcast %sub3A_445 : i32 to vector<20x1xi32>
      %sub3A_447 = arith.subi %sub3A_446, %and3A_444 : vector<20x1xi32>
      %shift_right_logical3A_448 = arith.constant 10 : i32
      %shift_right_logical3A_449 = vector.broadcast %shift_right_logical3A_448 : i32 to vector<20x1xi32>
      %shift_right_logical3A_450 = arith.shrui %broadcast_in_dim3A_348, %shift_right_logical3A_449 : vector<20x1xi32>
      %add3A_451 = arith.constant 1064682127 : i32
      %add3A_452 = vector.broadcast %add3A_451 : i32 to vector<20x1xi32>
      %add3A_453 = arith.addi %shift_right_logical3A_450, %add3A_452 : vector<20x1xi32>
      %bitcast_convert_type3A_454 = tpu.bitcast %add3A_453 : vector<20x1xi32> -> vector<20x1xf32>
      %eq3A_455 = vector.broadcast %sub3A_447 : vector<20x1xi32> to vector<20x1024xi32>
      %eq3A_456 = arith.cmpi eq, %iota3A, %eq3A_455 : vector<20x1024xi32>
      %jit3A_457 = arith.constant 0.000000e+00 : f32
      %broadcast_in_dim3A_458 = vector.broadcast %jit3A_457 : f32 to vector<20x1024xf32>
      %select_n3A_459 = arith.select %eq3A_456, %get3A_429, %broadcast_in_dim3A_458 : vector<20x1024xi1>, vector<20x1024xf32>
      %reduce_sum3A_460 = arith.constant dense<0.000000e+00> : vector<20xf32>
      %reduce_sum3A_461 = vector.multi_reduction <add>, %select_n3A_459, %reduce_sum3A_460 [1] : vector<20x1024xf32> to vector<20xf32>
      %broadcast_in_dim3A_462 = vector.shape_cast %reduce_sum3A_461 : vector<20xf32> to vector<20x1xf32>
      %jit3A_463 = arith.constant 0.000000e+00 : f32
      %broadcast_in_dim3A_464 = vector.broadcast %jit3A_463 : f32 to vector<20x1024xf32>
      %select_n3A_465 = arith.select %eq3A_456, %get3A_432, %broadcast_in_dim3A_464 : vector<20x1024xi1>, vector<20x1024xf32>
      %reduce_sum3A_466 = arith.constant dense<0.000000e+00> : vector<20xf32>
      %reduce_sum3A_467 = vector.multi_reduction <add>, %select_n3A_465, %reduce_sum3A_466 [1] : vector<20x1024xf32> to vector<20xf32>
      %broadcast_in_dim3A_468 = vector.shape_cast %reduce_sum3A_467 : vector<20xf32> to vector<20x1xf32>
      %jit3A_469 = arith.constant 0.000000e+00 : f32
      %broadcast_in_dim3A_470 = vector.broadcast %jit3A_469 : f32 to vector<20x1024xf32>
      %select_n3A_471 = arith.select %eq3A_456, %get3A_435, %broadcast_in_dim3A_470 : vector<20x1024xi1>, vector<20x1024xf32>
      %reduce_sum3A_472 = arith.constant dense<0.000000e+00> : vector<20xf32>
      %reduce_sum3A_473 = vector.multi_reduction <add>, %select_n3A_471, %reduce_sum3A_472 [1] : vector<20x1024xf32> to vector<20xf32>
      %broadcast_in_dim3A_474 = vector.shape_cast %reduce_sum3A_473 : vector<20xf32> to vector<20x1xf32>
      %jit3A_475 = arith.constant 0.000000e+00 : f32
      %broadcast_in_dim3A_476 = vector.broadcast %jit3A_475 : f32 to vector<20x1024xf32>
      %select_n3A_477 = arith.select %eq3A_456, %get3A_438, %broadcast_in_dim3A_476 : vector<20x1024xi1>, vector<20x1024xf32>
      %reduce_sum3A_478 = arith.constant dense<0.000000e+00> : vector<20xf32>
      %reduce_sum3A_479 = vector.multi_reduction <add>, %select_n3A_477, %reduce_sum3A_478 [1] : vector<20x1024xf32> to vector<20xf32>
      %broadcast_in_dim3A_480 = vector.shape_cast %reduce_sum3A_479 : vector<20xf32> to vector<20x1xf32>
      %get3A_481 = arith.constant 0 : index
      %get3A_482 = arith.constant 0 : index
      %get3A_483 = vector.load %arg8[%get3A_481, %get3A_482] : memref<20x1024xi32, #tpu.memory_space<vmem>>, vector<20x1024xi32>
      %max3A_484 = vector.broadcast %broadcast_in_dim3A_462 : vector<20x1xf32> to vector<20x1024xf32>
      %max3A_485 = arith.maximumf %max3A_484, %get3A_429 : vector<20x1024xf32>
      %max3A_486 = vector.broadcast %broadcast_in_dim3A_468 : vector<20x1xf32> to vector<20x1024xf32>
      %max3A_487 = arith.maximumf %max3A_486, %get3A_432 : vector<20x1024xf32>
      %min3A_488 = vector.broadcast %broadcast_in_dim3A_474 : vector<20x1xf32> to vector<20x1024xf32>
      %min3A_489 = arith.minimumf %min3A_488, %get3A_435 : vector<20x1024xf32>
      %min3A_490 = vector.broadcast %broadcast_in_dim3A_480 : vector<20x1xf32> to vector<20x1024xf32>
      %min3A_491 = arith.minimumf %min3A_490, %get3A_438 : vector<20x1024xf32>
      %sub3A_492 = arith.subf %min3A_489, %max3A_485 : vector<20x1024xf32>
      %max3A_493 = arith.constant 0.000000e+00 : f32
      %max3A_494 = vector.broadcast %max3A_493 : f32 to vector<20x1024xf32>
      %max3A_495 = arith.maximumf %sub3A_492, %max3A_494 : vector<20x1024xf32>
      %sub3A_496 = arith.subf %min3A_491, %max3A_487 : vector<20x1024xf32>
      %max3A_497 = arith.constant 0.000000e+00 : f32
      %max3A_498 = vector.broadcast %max3A_497 : f32 to vector<20x1024xf32>
      %max3A_499 = arith.maximumf %sub3A_496, %max3A_498 : vector<20x1024xf32>
      %mul3A_500 = arith.mulf %max3A_495, %max3A_499 : vector<20x1024xf32>
      %sub3A_501 = arith.subf %broadcast_in_dim3A_474, %broadcast_in_dim3A_462 : vector<20x1xf32>
      %max3A_502 = arith.constant 0.000000e+00 : f32
      %max3A_503 = vector.broadcast %max3A_502 : f32 to vector<20x1xf32>
      %max3A_504 = arith.maximumf %sub3A_501, %max3A_503 : vector<20x1xf32>
      %sub3A_505 = arith.subf %broadcast_in_dim3A_480, %broadcast_in_dim3A_468 : vector<20x1xf32>
      %max3A_506 = arith.constant 0.000000e+00 : f32
      %max3A_507 = vector.broadcast %max3A_506 : f32 to vector<20x1xf32>
      %max3A_508 = arith.maximumf %sub3A_505, %max3A_507 : vector<20x1xf32>
      %mul3A_509 = arith.mulf %max3A_504, %max3A_508 : vector<20x1xf32>
      %get3A_510 = arith.constant 0 : index
      %get3A_511 = arith.constant 0 : index
      %get3A_512 = vector.load %arg9[%get3A_510, %get3A_511] : memref<20x1024xf32, #tpu.memory_space<vmem>>, vector<20x1024xf32>
      %add3A_513 = vector.broadcast %mul3A_509 : vector<20x1xf32> to vector<20x1024xf32>
      %add3A_514 = arith.addf %add3A_513, %get3A_512 : vector<20x1024xf32>
      %sub3A_515 = arith.subf %add3A_514, %mul3A_500 : vector<20x1024xf32>
      %max3A_516 = arith.constant 9.99999993E-9 : f32
      %max3A_517 = vector.broadcast %max3A_516 : f32 to vector<20x1024xf32>
      %max3A_518 = arith.maximumf %sub3A_515, %max3A_517 : vector<20x1024xf32>
      %div3A_519 = arith.divf %mul3A_500, %max3A_518 : vector<20x1024xf32>
      %ge3A_520 = arith.constant 4.500000e-01 : f32
      %ge3A_521 = vector.broadcast %ge3A_520 : f32 to vector<20x1024xf32>
      %ge3A_522 = arith.cmpf oge, %div3A_519, %ge3A_521 : vector<20x1024xf32>
      %jit3A_523 = arith.constant -1073741824 : i32
      %broadcast_in_dim3A_524 = vector.broadcast %jit3A_523 : i32 to vector<20x1024xi32>
      %select_n3A_525 = arith.select %ge3A_522, %broadcast_in_dim3A_524, %get3A_483 : vector<20x1024xi1>, vector<20x1024xi32>
      %swap3A_526 = arith.constant 0 : index
      %swap3A_527 = arith.constant 0 : index
      %swap3A_528 = vector.load %arg8[%swap3A_526, %swap3A_527] : memref<20x1024xi32, #tpu.memory_space<vmem>>, vector<20x1024xi32>
      tpu.vector_store %arg8[%swap3A_526, %swap3A_527], %select_n3A_525 {strides = array<i32>} : memref<20x1024xi32, #tpu.memory_space<vmem>>, vector<20x1024xi32>,
      %reduce_max3A_529 = arith.constant dense<-2147483648> : vector<20xi32>
      %reduce_max3A_530 = vector.multi_reduction <maxsi>, %select_n3A_525, %reduce_max3A_529 [1] : vector<20x1024xi32> to vector<20xi32>
      %broadcast_in_dim3A_531 = vector.shape_cast %reduce_max3A_530 : vector<20xi32> to vector<20x1xi32>
      %eq3A_532 = vector.broadcast %scan3A_426 : i32 to vector<20x256xi32>
      %eq3A_533 = arith.cmpi eq, %iota3A_24, %eq3A_532 : vector<20x256xi32>
      %and3A_534 = vector.broadcast %gt3A_441 : vector<20x1xi1> to vector<20x256xi1>
      %and3A_535 = arith.andi %eq3A_533, %and3A_534 : vector<20x256xi1>
      %get3A_536 = arith.constant 0 : index
      %get3A_537 = arith.constant 0 : index
      %get3A_538 = arith.constant 0 : index
      %get3A_539 = vector.load %arg7[%get3A_536, %get3A_537, %get3A_538] : memref<5x20x256xf32, #tpu.memory_space<vmem>>, vector<1x20x256xf32>
      %get3A_540 = vector.shape_cast %get3A_539 : vector<1x20x256xf32> to vector<20x256xf32>
      %broadcast_in_dim3A_541 = vector.shape_cast %broadcast_in_dim3A_462 : vector<20x1xf32> to vector<20x1xf32>
      %broadcast_in_dim3A_542 = vector.broadcast %broadcast_in_dim3A_541 : vector<20x1xf32> to vector<20x256xf32>
      %select_n3A_543 = arith.select %and3A_535, %broadcast_in_dim3A_542, %get3A_540 : vector<20x256xi1>, vector<20x256xf32>
      %swap3A_544 = arith.constant 0 : index
      %swap3A_545 = arith.constant 0 : index
      %swap3A_546 = arith.constant 0 : index
      %swap3A_547 = vector.load %arg7[%swap3A_544, %swap3A_545, %swap3A_546] : memref<5x20x256xf32, #tpu.memory_space<vmem>>, vector<1x20x256xf32>
      %swap3A_548 = vector.shape_cast %swap3A_547 : vector<1x20x256xf32> to vector<20x256xf32>
      %swap3A_549 = vector.shape_cast %select_n3A_543 : vector<20x256xf32> to vector<1x20x256xf32>
      tpu.vector_store %arg7[%swap3A_544, %swap3A_545, %swap3A_546], %swap3A_549 {strides = array<i32>} : memref<5x20x256xf32, #tpu.memory_space<vmem>>, vector<1x20x256xf32>,
      %get3A_550 = arith.constant 1 : index
      %get3A_551 = arith.constant 0 : index
      %get3A_552 = arith.constant 0 : index
      %get3A_553 = vector.load %arg7[%get3A_550, %get3A_551, %get3A_552] : memref<5x20x256xf32, #tpu.memory_space<vmem>>, vector<1x20x256xf32>
      %get3A_554 = vector.shape_cast %get3A_553 : vector<1x20x256xf32> to vector<20x256xf32>
      %broadcast_in_dim3A_555 = vector.shape_cast %broadcast_in_dim3A_468 : vector<20x1xf32> to vector<20x1xf32>
      %broadcast_in_dim3A_556 = vector.broadcast %broadcast_in_dim3A_555 : vector<20x1xf32> to vector<20x256xf32>
      %select_n3A_557 = arith.select %and3A_535, %broadcast_in_dim3A_556, %get3A_554 : vector<20x256xi1>, vector<20x256xf32>
      %swap3A_558 = arith.constant 1 : index
      %swap3A_559 = arith.constant 0 : index
      %swap3A_560 = arith.constant 0 : index
      %swap3A_561 = vector.load %arg7[%swap3A_558, %swap3A_559, %swap3A_560] : memref<5x20x256xf32, #tpu.memory_space<vmem>>, vector<1x20x256xf32>
      %swap3A_562 = vector.shape_cast %swap3A_561 : vector<1x20x256xf32> to vector<20x256xf32>
      %swap3A_563 = vector.shape_cast %select_n3A_557 : vector<20x256xf32> to vector<1x20x256xf32>
      tpu.vector_store %arg7[%swap3A_558, %swap3A_559, %swap3A_560], %swap3A_563 {strides = array<i32>} : memref<5x20x256xf32, #tpu.memory_space<vmem>>, vector<1x20x256xf32>,
      %get3A_564 = arith.constant 2 : index
      %get3A_565 = arith.constant 0 : index
      %get3A_566 = arith.constant 0 : index
      %get3A_567 = vector.load %arg7[%get3A_564, %get3A_565, %get3A_566] : memref<5x20x256xf32, #tpu.memory_space<vmem>>, vector<1x20x256xf32>
      %get3A_568 = vector.shape_cast %get3A_567 : vector<1x20x256xf32> to vector<20x256xf32>
      %broadcast_in_dim3A_569 = vector.shape_cast %broadcast_in_dim3A_474 : vector<20x1xf32> to vector<20x1xf32>
      %broadcast_in_dim3A_570 = vector.broadcast %broadcast_in_dim3A_569 : vector<20x1xf32> to vector<20x256xf32>
      %select_n3A_571 = arith.select %and3A_535, %broadcast_in_dim3A_570, %get3A_568 : vector<20x256xi1>, vector<20x256xf32>
      %swap3A_572 = arith.constant 2 : index
      %swap3A_573 = arith.constant 0 : index
      %swap3A_574 = arith.constant 0 : index
      %swap3A_575 = vector.load %arg7[%swap3A_572, %swap3A_573, %swap3A_574] : memref<5x20x256xf32, #tpu.memory_space<vmem>>, vector<1x20x256xf32>
      %swap3A_576 = vector.shape_cast %swap3A_575 : vector<1x20x256xf32> to vector<20x256xf32>
      %swap3A_577 = vector.shape_cast %select_n3A_571 : vector<20x256xf32> to vector<1x20x256xf32>
      tpu.vector_store %arg7[%swap3A_572, %swap3A_573, %swap3A_574], %swap3A_577 {strides = array<i32>} : memref<5x20x256xf32, #tpu.memory_space<vmem>>, vector<1x20x256xf32>,
      %get3A_578 = arith.constant 3 : index
      %get3A_579 = arith.constant 0 : index
      %get3A_580 = arith.constant 0 : index
      %get3A_581 = vector.load %arg7[%get3A_578, %get3A_579, %get3A_580] : memref<5x20x256xf32, #tpu.memory_space<vmem>>, vector<1x20x256xf32>
      %get3A_582 = vector.shape_cast %get3A_581 : vector<1x20x256xf32> to vector<20x256xf32>
      %broadcast_in_dim3A_583 = vector.shape_cast %broadcast_in_dim3A_480 : vector<20x1xf32> to vector<20x1xf32>
      %broadcast_in_dim3A_584 = vector.broadcast %broadcast_in_dim3A_583 : vector<20x1xf32> to vector<20x256xf32>
      %select_n3A_585 = arith.select %and3A_535, %broadcast_in_dim3A_584, %get3A_582 : vector<20x256xi1>, vector<20x256xf32>
      %swap3A_586 = arith.constant 3 : index
      %swap3A_587 = arith.constant 0 : index
      %swap3A_588 = arith.constant 0 : index
      %swap3A_589 = vector.load %arg7[%swap3A_586, %swap3A_587, %swap3A_588] : memref<5x20x256xf32, #tpu.memory_space<vmem>>, vector<1x20x256xf32>
      %swap3A_590 = vector.shape_cast %swap3A_589 : vector<1x20x256xf32> to vector<20x256xf32>
      %swap3A_591 = vector.shape_cast %select_n3A_585 : vector<20x256xf32> to vector<1x20x256xf32>
      tpu.vector_store %arg7[%swap3A_586, %swap3A_587, %swap3A_588], %swap3A_591 {strides = array<i32>} : memref<5x20x256xf32, #tpu.memory_space<vmem>>, vector<1x20x256xf32>,
      %get3A_592 = arith.constant 4 : index
      %get3A_593 = arith.constant 0 : index
      %get3A_594 = arith.constant 0 : index
      %get3A_595 = vector.load %arg7[%get3A_592, %get3A_593, %get3A_594] : memref<5x20x256xf32, #tpu.memory_space<vmem>>, vector<1x20x256xf32>
      %get3A_596 = vector.shape_cast %get3A_595 : vector<1x20x256xf32> to vector<20x256xf32>
      %broadcast_in_dim3A_597 = vector.shape_cast %bitcast_convert_type3A_454 : vector<20x1xf32> to vector<20x1xf32>
      %broadcast_in_dim3A_598 = vector.broadcast %broadcast_in_dim3A_597 : vector<20x1xf32> to vector<20x256xf32>
      %select_n3A_599 = arith.select %and3A_535, %broadcast_in_dim3A_598, %get3A_596 : vector<20x256xi1>, vector<20x256xf32>
      %swap3A_600 = arith.constant 4 : index
      %swap3A_601 = arith.constant 0 : index
      %swap3A_602 = arith.constant 0 : index
      %swap3A_603 = vector.load %arg7[%swap3A_600, %swap3A_601, %swap3A_602] : memref<5x20x256xf32, #tpu.memory_space<vmem>>, vector<1x20x256xf32>
      %swap3A_604 = vector.shape_cast %swap3A_603 : vector<1x20x256xf32> to vector<20x256xf32>
      %swap3A_605 = vector.shape_cast %select_n3A_599 : vector<20x256xf32> to vector<1x20x256xf32>
      tpu.vector_store %arg7[%swap3A_600, %swap3A_601, %swap3A_602], %swap3A_605 {strides = array<i32>} : memref<5x20x256xf32, #tpu.memory_space<vmem>>, vector<1x20x256xf32>,
      %convert_element_type3A_606 = arith.extui %gt3A_441 : vector<20x1xi1> to vector<20x1xi32>
      %add3A_607 = arith.addi %add3A_424, %convert_element_type3A_606 : vector<20x1xi32>
      %scan3A_608 = arith.constant 3 : i32
      %scan3A_609 = arith.addi %scan3A_65, %scan3A_608 : i32
      %get3A_610 = arith.constant 0 : index
      %get3A_611 = arith.constant 0 : index
      %get3A_612 = vector.load %arg1[%get3A_610, %get3A_611] : memref<20x1024xf32, #tpu.memory_space<vmem>>, vector<20x1024xf32>
      %get3A_613 = arith.constant 0 : index
      %get3A_614 = arith.constant 0 : index
      %get3A_615 = vector.load %arg2[%get3A_613, %get3A_614] : memref<20x1024xf32, #tpu.memory_space<vmem>>, vector<20x1024xf32>
      %get3A_616 = arith.constant 0 : index
      %get3A_617 = arith.constant 0 : index
      %get3A_618 = vector.load %arg3[%get3A_616, %get3A_617] : memref<20x1024xf32, #tpu.memory_space<vmem>>, vector<20x1024xf32>
      %get3A_619 = arith.constant 0 : index
      %get3A_620 = arith.constant 0 : index
      %get3A_621 = vector.load %arg4[%get3A_619, %get3A_620] : memref<20x1024xf32, #tpu.memory_space<vmem>>, vector<20x1024xf32>
      %gt3A_622 = arith.constant 0 : i32
      %gt3A_623 = vector.broadcast %gt3A_622 : i32 to vector<20x1xi32>
      %gt3A_624 = arith.cmpi sgt, %broadcast_in_dim3A_531, %gt3A_623 : vector<20x1xi32>
      %and3A_625 = arith.constant 1023 : i32
      %and3A_626 = vector.broadcast %and3A_625 : i32 to vector<20x1xi32>
      %and3A_627 = arith.andi %broadcast_in_dim3A_531, %and3A_626 : vector<20x1xi32>
      %sub3A_628 = arith.constant 1023 : i32
      %sub3A_629 = vector.broadcast %sub3A_628 : i32 to vector<20x1xi32>
      %sub3A_630 = arith.subi %sub3A_629, %and3A_627 : vector<20x1xi32>
      %shift_right_logical3A_631 = arith.constant 10 : i32
      %shift_right_logical3A_632 = vector.broadcast %shift_right_logical3A_631 : i32 to vector<20x1xi32>
      %shift_right_logical3A_633 = arith.shrui %broadcast_in_dim3A_531, %shift_right_logical3A_632 : vector<20x1xi32>
      %add3A_634 = arith.constant 1064682127 : i32
      %add3A_635 = vector.broadcast %add3A_634 : i32 to vector<20x1xi32>
      %add3A_636 = arith.addi %shift_right_logical3A_633, %add3A_635 : vector<20x1xi32>
      %bitcast_convert_type3A_637 = tpu.bitcast %add3A_636 : vector<20x1xi32> -> vector<20x1xf32>
      %eq3A_638 = vector.broadcast %sub3A_630 : vector<20x1xi32> to vector<20x1024xi32>
      %eq3A_639 = arith.cmpi eq, %iota3A, %eq3A_638 : vector<20x1024xi32>
      %jit3A_640 = arith.constant 0.000000e+00 : f32
      %broadcast_in_dim3A_641 = vector.broadcast %jit3A_640 : f32 to vector<20x1024xf32>
      %select_n3A_642 = arith.select %eq3A_639, %get3A_612, %broadcast_in_dim3A_641 : vector<20x1024xi1>, vector<20x1024xf32>
      %reduce_sum3A_643 = arith.constant dense<0.000000e+00> : vector<20xf32>
      %reduce_sum3A_644 = vector.multi_reduction <add>, %select_n3A_642, %reduce_sum3A_643 [1] : vector<20x1024xf32> to vector<20xf32>
      %broadcast_in_dim3A_645 = vector.shape_cast %reduce_sum3A_644 : vector<20xf32> to vector<20x1xf32>
      %jit3A_646 = arith.constant 0.000000e+00 : f32
      %broadcast_in_dim3A_647 = vector.broadcast %jit3A_646 : f32 to vector<20x1024xf32>
      %select_n3A_648 = arith.select %eq3A_639, %get3A_615, %broadcast_in_dim3A_647 : vector<20x1024xi1>, vector<20x1024xf32>
      %reduce_sum3A_649 = arith.constant dense<0.000000e+00> : vector<20xf32>
      %reduce_sum3A_650 = vector.multi_reduction <add>, %select_n3A_648, %reduce_sum3A_649 [1] : vector<20x1024xf32> to vector<20xf32>
      %broadcast_in_dim3A_651 = vector.shape_cast %reduce_sum3A_650 : vector<20xf32> to vector<20x1xf32>
      %jit3A_652 = arith.constant 0.000000e+00 : f32
      %broadcast_in_dim3A_653 = vector.broadcast %jit3A_652 : f32 to vector<20x1024xf32>
      %select_n3A_654 = arith.select %eq3A_639, %get3A_618, %broadcast_in_dim3A_653 : vector<20x1024xi1>, vector<20x1024xf32>
      %reduce_sum3A_655 = arith.constant dense<0.000000e+00> : vector<20xf32>
      %reduce_sum3A_656 = vector.multi_reduction <add>, %select_n3A_654, %reduce_sum3A_655 [1] : vector<20x1024xf32> to vector<20xf32>
      %broadcast_in_dim3A_657 = vector.shape_cast %reduce_sum3A_656 : vector<20xf32> to vector<20x1xf32>
      %jit3A_658 = arith.constant 0.000000e+00 : f32
      %broadcast_in_dim3A_659 = vector.broadcast %jit3A_658 : f32 to vector<20x1024xf32>
      %select_n3A_660 = arith.select %eq3A_639, %get3A_621, %broadcast_in_dim3A_659 : vector<20x1024xi1>, vector<20x1024xf32>
      %reduce_sum3A_661 = arith.constant dense<0.000000e+00> : vector<20xf32>
      %reduce_sum3A_662 = vector.multi_reduction <add>, %select_n3A_660, %reduce_sum3A_661 [1] : vector<20x1024xf32> to vector<20xf32>
      %broadcast_in_dim3A_663 = vector.shape_cast %reduce_sum3A_662 : vector<20xf32> to vector<20x1xf32>
      %get3A_664 = arith.constant 0 : index
      %get3A_665 = arith.constant 0 : index
      %get3A_666 = vector.load %arg8[%get3A_664, %get3A_665] : memref<20x1024xi32, #tpu.memory_space<vmem>>, vector<20x1024xi32>
      %max3A_667 = vector.broadcast %broadcast_in_dim3A_645 : vector<20x1xf32> to vector<20x1024xf32>
      %max3A_668 = arith.maximumf %max3A_667, %get3A_612 : vector<20x1024xf32>
      %max3A_669 = vector.broadcast %broadcast_in_dim3A_651 : vector<20x1xf32> to vector<20x1024xf32>
      %max3A_670 = arith.maximumf %max3A_669, %get3A_615 : vector<20x1024xf32>
      %min3A_671 = vector.broadcast %broadcast_in_dim3A_657 : vector<20x1xf32> to vector<20x1024xf32>
      %min3A_672 = arith.minimumf %min3A_671, %get3A_618 : vector<20x1024xf32>
      %min3A_673 = vector.broadcast %broadcast_in_dim3A_663 : vector<20x1xf32> to vector<20x1024xf32>
      %min3A_674 = arith.minimumf %min3A_673, %get3A_621 : vector<20x1024xf32>
      %sub3A_675 = arith.subf %min3A_672, %max3A_668 : vector<20x1024xf32>
      %max3A_676 = arith.constant 0.000000e+00 : f32
      %max3A_677 = vector.broadcast %max3A_676 : f32 to vector<20x1024xf32>
      %max3A_678 = arith.maximumf %sub3A_675, %max3A_677 : vector<20x1024xf32>
      %sub3A_679 = arith.subf %min3A_674, %max3A_670 : vector<20x1024xf32>
      %max3A_680 = arith.constant 0.000000e+00 : f32
      %max3A_681 = vector.broadcast %max3A_680 : f32 to vector<20x1024xf32>
      %max3A_682 = arith.maximumf %sub3A_679, %max3A_681 : vector<20x1024xf32>
      %mul3A_683 = arith.mulf %max3A_678, %max3A_682 : vector<20x1024xf32>
      %sub3A_684 = arith.subf %broadcast_in_dim3A_657, %broadcast_in_dim3A_645 : vector<20x1xf32>
      %max3A_685 = arith.constant 0.000000e+00 : f32
      %max3A_686 = vector.broadcast %max3A_685 : f32 to vector<20x1xf32>
      %max3A_687 = arith.maximumf %sub3A_684, %max3A_686 : vector<20x1xf32>
      %sub3A_688 = arith.subf %broadcast_in_dim3A_663, %broadcast_in_dim3A_651 : vector<20x1xf32>
      %max3A_689 = arith.constant 0.000000e+00 : f32
      %max3A_690 = vector.broadcast %max3A_689 : f32 to vector<20x1xf32>
      %max3A_691 = arith.maximumf %sub3A_688, %max3A_690 : vector<20x1xf32>
      %mul3A_692 = arith.mulf %max3A_687, %max3A_691 : vector<20x1xf32>
      %get3A_693 = arith.constant 0 : index
      %get3A_694 = arith.constant 0 : index
      %get3A_695 = vector.load %arg9[%get3A_693, %get3A_694] : memref<20x1024xf32, #tpu.memory_space<vmem>>, vector<20x1024xf32>
      %add3A_696 = vector.broadcast %mul3A_692 : vector<20x1xf32> to vector<20x1024xf32>
      %add3A_697 = arith.addf %add3A_696, %get3A_695 : vector<20x1024xf32>
      %sub3A_698 = arith.subf %add3A_697, %mul3A_683 : vector<20x1024xf32>
      %max3A_699 = arith.constant 9.99999993E-9 : f32
      %max3A_700 = vector.broadcast %max3A_699 : f32 to vector<20x1024xf32>
      %max3A_701 = arith.maximumf %sub3A_698, %max3A_700 : vector<20x1024xf32>
      %div3A_702 = arith.divf %mul3A_683, %max3A_701 : vector<20x1024xf32>
      %ge3A_703 = arith.constant 4.500000e-01 : f32
      %ge3A_704 = vector.broadcast %ge3A_703 : f32 to vector<20x1024xf32>
      %ge3A_705 = arith.cmpf oge, %div3A_702, %ge3A_704 : vector<20x1024xf32>
      %jit3A_706 = arith.constant -1073741824 : i32
      %broadcast_in_dim3A_707 = vector.broadcast %jit3A_706 : i32 to vector<20x1024xi32>
      %select_n3A_708 = arith.select %ge3A_705, %broadcast_in_dim3A_707, %get3A_666 : vector<20x1024xi1>, vector<20x1024xi32>
      %swap3A_709 = arith.constant 0 : index
      %swap3A_710 = arith.constant 0 : index
      %swap3A_711 = vector.load %arg8[%swap3A_709, %swap3A_710] : memref<20x1024xi32, #tpu.memory_space<vmem>>, vector<20x1024xi32>
      tpu.vector_store %arg8[%swap3A_709, %swap3A_710], %select_n3A_708 {strides = array<i32>} : memref<20x1024xi32, #tpu.memory_space<vmem>>, vector<20x1024xi32>,
      %reduce_max3A_712 = arith.constant dense<-2147483648> : vector<20xi32>
      %reduce_max3A_713 = vector.multi_reduction <maxsi>, %select_n3A_708, %reduce_max3A_712 [1] : vector<20x1024xi32> to vector<20xi32>
      %broadcast_in_dim3A_714 = vector.shape_cast %reduce_max3A_713 : vector<20xi32> to vector<20x1xi32>
      %eq3A_715 = vector.broadcast %scan3A_609 : i32 to vector<20x256xi32>
      %eq3A_716 = arith.cmpi eq, %iota3A_24, %eq3A_715 : vector<20x256xi32>
      %and3A_717 = vector.broadcast %gt3A_624 : vector<20x1xi1> to vector<20x256xi1>
      %and3A_718 = arith.andi %eq3A_716, %and3A_717 : vector<20x256xi1>
      %get3A_719 = arith.constant 0 : index
      %get3A_720 = arith.constant 0 : index
      %get3A_721 = arith.constant 0 : index
      %get3A_722 = vector.load %arg7[%get3A_719, %get3A_720, %get3A_721] : memref<5x20x256xf32, #tpu.memory_space<vmem>>, vector<1x20x256xf32>
      %get3A_723 = vector.shape_cast %get3A_722 : vector<1x20x256xf32> to vector<20x256xf32>
      %broadcast_in_dim3A_724 = vector.shape_cast %broadcast_in_dim3A_645 : vector<20x1xf32> to vector<20x1xf32>
      %broadcast_in_dim3A_725 = vector.broadcast %broadcast_in_dim3A_724 : vector<20x1xf32> to vector<20x256xf32>
      %select_n3A_726 = arith.select %and3A_718, %broadcast_in_dim3A_725, %get3A_723 : vector<20x256xi1>, vector<20x256xf32>
      %swap3A_727 = arith.constant 0 : index
      %swap3A_728 = arith.constant 0 : index
      %swap3A_729 = arith.constant 0 : index
      %swap3A_730 = vector.load %arg7[%swap3A_727, %swap3A_728, %swap3A_729] : memref<5x20x256xf32, #tpu.memory_space<vmem>>, vector<1x20x256xf32>
      %swap3A_731 = vector.shape_cast %swap3A_730 : vector<1x20x256xf32> to vector<20x256xf32>
      %swap3A_732 = vector.shape_cast %select_n3A_726 : vector<20x256xf32> to vector<1x20x256xf32>
      tpu.vector_store %arg7[%swap3A_727, %swap3A_728, %swap3A_729], %swap3A_732 {strides = array<i32>} : memref<5x20x256xf32, #tpu.memory_space<vmem>>, vector<1x20x256xf32>,
      %get3A_733 = arith.constant 1 : index
      %get3A_734 = arith.constant 0 : index
      %get3A_735 = arith.constant 0 : index
      %get3A_736 = vector.load %arg7[%get3A_733, %get3A_734, %get3A_735] : memref<5x20x256xf32, #tpu.memory_space<vmem>>, vector<1x20x256xf32>
      %get3A_737 = vector.shape_cast %get3A_736 : vector<1x20x256xf32> to vector<20x256xf32>
      %broadcast_in_dim3A_738 = vector.shape_cast %broadcast_in_dim3A_651 : vector<20x1xf32> to vector<20x1xf32>
      %broadcast_in_dim3A_739 = vector.broadcast %broadcast_in_dim3A_738 : vector<20x1xf32> to vector<20x256xf32>
      %select_n3A_740 = arith.select %and3A_718, %broadcast_in_dim3A_739, %get3A_737 : vector<20x256xi1>, vector<20x256xf32>
      %swap3A_741 = arith.constant 1 : index
      %swap3A_742 = arith.constant 0 : index
      %swap3A_743 = arith.constant 0 : index
      %swap3A_744 = vector.load %arg7[%swap3A_741, %swap3A_742, %swap3A_743] : memref<5x20x256xf32, #tpu.memory_space<vmem>>, vector<1x20x256xf32>
      %swap3A_745 = vector.shape_cast %swap3A_744 : vector<1x20x256xf32> to vector<20x256xf32>
      %swap3A_746 = vector.shape_cast %select_n3A_740 : vector<20x256xf32> to vector<1x20x256xf32>
      tpu.vector_store %arg7[%swap3A_741, %swap3A_742, %swap3A_743], %swap3A_746 {strides = array<i32>} : memref<5x20x256xf32, #tpu.memory_space<vmem>>, vector<1x20x256xf32>,
      %get3A_747 = arith.constant 2 : index
      %get3A_748 = arith.constant 0 : index
      %get3A_749 = arith.constant 0 : index
      %get3A_750 = vector.load %arg7[%get3A_747, %get3A_748, %get3A_749] : memref<5x20x256xf32, #tpu.memory_space<vmem>>, vector<1x20x256xf32>
      %get3A_751 = vector.shape_cast %get3A_750 : vector<1x20x256xf32> to vector<20x256xf32>
      %broadcast_in_dim3A_752 = vector.shape_cast %broadcast_in_dim3A_657 : vector<20x1xf32> to vector<20x1xf32>
      %broadcast_in_dim3A_753 = vector.broadcast %broadcast_in_dim3A_752 : vector<20x1xf32> to vector<20x256xf32>
      %select_n3A_754 = arith.select %and3A_718, %broadcast_in_dim3A_753, %get3A_751 : vector<20x256xi1>, vector<20x256xf32>
      %swap3A_755 = arith.constant 2 : index
      %swap3A_756 = arith.constant 0 : index
      %swap3A_757 = arith.constant 0 : index
      %swap3A_758 = vector.load %arg7[%swap3A_755, %swap3A_756, %swap3A_757] : memref<5x20x256xf32, #tpu.memory_space<vmem>>, vector<1x20x256xf32>
      %swap3A_759 = vector.shape_cast %swap3A_758 : vector<1x20x256xf32> to vector<20x256xf32>
      %swap3A_760 = vector.shape_cast %select_n3A_754 : vector<20x256xf32> to vector<1x20x256xf32>
      tpu.vector_store %arg7[%swap3A_755, %swap3A_756, %swap3A_757], %swap3A_760 {strides = array<i32>} : memref<5x20x256xf32, #tpu.memory_space<vmem>>, vector<1x20x256xf32>,
      %get3A_761 = arith.constant 3 : index
      %get3A_762 = arith.constant 0 : index
      %get3A_763 = arith.constant 0 : index
      %get3A_764 = vector.load %arg7[%get3A_761, %get3A_762, %get3A_763] : memref<5x20x256xf32, #tpu.memory_space<vmem>>, vector<1x20x256xf32>
      %get3A_765 = vector.shape_cast %get3A_764 : vector<1x20x256xf32> to vector<20x256xf32>
      %broadcast_in_dim3A_766 = vector.shape_cast %broadcast_in_dim3A_663 : vector<20x1xf32> to vector<20x1xf32>
      %broadcast_in_dim3A_767 = vector.broadcast %broadcast_in_dim3A_766 : vector<20x1xf32> to vector<20x256xf32>
      %select_n3A_768 = arith.select %and3A_718, %broadcast_in_dim3A_767, %get3A_765 : vector<20x256xi1>, vector<20x256xf32>
      %swap3A_769 = arith.constant 3 : index
      %swap3A_770 = arith.constant 0 : index
      %swap3A_771 = arith.constant 0 : index
      %swap3A_772 = vector.load %arg7[%swap3A_769, %swap3A_770, %swap3A_771] : memref<5x20x256xf32, #tpu.memory_space<vmem>>, vector<1x20x256xf32>
      %swap3A_773 = vector.shape_cast %swap3A_772 : vector<1x20x256xf32> to vector<20x256xf32>
      %swap3A_774 = vector.shape_cast %select_n3A_768 : vector<20x256xf32> to vector<1x20x256xf32>
      tpu.vector_store %arg7[%swap3A_769, %swap3A_770, %swap3A_771], %swap3A_774 {strides = array<i32>} : memref<5x20x256xf32, #tpu.memory_space<vmem>>, vector<1x20x256xf32>,
      %get3A_775 = arith.constant 4 : index
      %get3A_776 = arith.constant 0 : index
      %get3A_777 = arith.constant 0 : index
      %get3A_778 = vector.load %arg7[%get3A_775, %get3A_776, %get3A_777] : memref<5x20x256xf32, #tpu.memory_space<vmem>>, vector<1x20x256xf32>
      %get3A_779 = vector.shape_cast %get3A_778 : vector<1x20x256xf32> to vector<20x256xf32>
      %broadcast_in_dim3A_780 = vector.shape_cast %bitcast_convert_type3A_637 : vector<20x1xf32> to vector<20x1xf32>
      %broadcast_in_dim3A_781 = vector.broadcast %broadcast_in_dim3A_780 : vector<20x1xf32> to vector<20x256xf32>
      %select_n3A_782 = arith.select %and3A_718, %broadcast_in_dim3A_781, %get3A_779 : vector<20x256xi1>, vector<20x256xf32>
      %swap3A_783 = arith.constant 4 : index
      %swap3A_784 = arith.constant 0 : index
      %swap3A_785 = arith.constant 0 : index
      %swap3A_786 = vector.load %arg7[%swap3A_783, %swap3A_784, %swap3A_785] : memref<5x20x256xf32, #tpu.memory_space<vmem>>, vector<1x20x256xf32>
      %swap3A_787 = vector.shape_cast %swap3A_786 : vector<1x20x256xf32> to vector<20x256xf32>
      %swap3A_788 = vector.shape_cast %select_n3A_782 : vector<20x256xf32> to vector<1x20x256xf32>
      tpu.vector_store %arg7[%swap3A_783, %swap3A_784, %swap3A_785], %swap3A_788 {strides = array<i32>} : memref<5x20x256xf32, #tpu.memory_space<vmem>>, vector<1x20x256xf32>,
      %convert_element_type3A_789 = arith.extui %gt3A_624 : vector<20x1xi1> to vector<20x1xi32>
      %add3A_790 = arith.addi %add3A_607, %convert_element_type3A_789 : vector<20x1xi32>
      scf.yield %add3A_790, %broadcast_in_dim3A_714 : vector<20x1xi32>, vector<20x1xi32>
    }
    %scan3A_50 = arith.constant 200 : i32
    %lt3A = arith.constant 200 : i32
    %lt3A_51 = vector.broadcast %lt3A : i32 to vector<20x1xi32>
    %lt3A_52 = arith.cmpi slt, %scan3A_49#0, %lt3A_51 : vector<20x1xi32>
    %reduce_or3A = arith.constant 1.000000e+00 : f32
    %reduce_or3A_53 = arith.constant 0.000000e+00 : f32
    %reduce_or3A_54 = vector.broadcast %reduce_or3A : f32 to vector<20x1xf32>
    %reduce_or3A_55 = vector.broadcast %reduce_or3A_53 : f32 to vector<20x1xf32>
    %reduce_or3A_56 = arith.select %lt3A_52, %reduce_or3A_54, %reduce_or3A_55 : vector<20x1xi1>, vector<20x1xf32>
    %reduce_or3A_57 = vector.shape_cast %reduce_or3A_56 : vector<20x1xf32> to vector<1x20x1xf32>
    %reduce_or3A_58 = arith.constant dense<0xFF800000> : vector<1xf32>
    %reduce_or3A_59 = vector.multi_reduction <maximumf>, %reduce_or3A_57, %reduce_or3A_58 [1, 2] : vector<1x20x1xf32> to vector<1xf32>
    %reduce_or3A_60 = vector.shape_cast %reduce_or3A_59 : vector<1xf32> to vector<1x1x1xf32>
    %reduce_or3A_61 = vector.extract %reduce_or3A_60[0, 0, 0] : f32 from vector<1x1x1xf32>
    %reduce_or3A_62 = arith.constant 0.000000e+00 : f32
    %reduce_or3A_63 = arith.cmpf ogt, %reduce_or3A_61, %reduce_or3A_62 : f32
    %convert_element_type3A = arith.extui %reduce_or3A_63 : i1 to i32
    %cond3A = arith.constant 0 : i32
    %cond3A_64 = arith.cmpi ne, %convert_element_type3A, %cond3A : i32
    scf.if %cond3A_64 {
      %get3A_65 = arith.constant 0 : index
      %get3A_66 = arith.constant 0 : index
      %get3A_67 = vector.load %arg5[%get3A_65, %get3A_66] : memref<20x20000xf32, #tpu.memory_space<vmem>>, vector<20x20000xf32>
      %jit3A_68 = arith.constant 0.000000e+00 : f32
      %broadcast_in_dim3A_69 = vector.shape_cast %lt3A_52 : vector<20x1xi1> to vector<20x1xi1>
      %broadcast_in_dim3A_70 = vector.broadcast %broadcast_in_dim3A_69 : vector<20x1xi1> to vector<20x20000xi1>
      %broadcast_in_dim3A_71 = vector.broadcast %jit3A_68 : f32 to vector<20x20000xf32>
      %select_n3A_72 = arith.select %broadcast_in_dim3A_70, %get3A_67, %broadcast_in_dim3A_71 : vector<20x20000xi1>, vector<20x20000xf32>
      %swap3A_73 = arith.constant 0 : index
      %swap3A_74 = arith.constant 0 : index
      %swap3A_75 = vector.load %arg10[%swap3A_73, %swap3A_74] : memref<20x20000xf32, #tpu.memory_space<vmem>>, vector<20x20000xf32>
      tpu.vector_store %arg10[%swap3A_73, %swap3A_74], %select_n3A_72 {strides = array<i32>} : memref<20x20000xf32, #tpu.memory_space<vmem>>, vector<20x20000xf32>,
      %broadcast_in_dim3A_76 = vector.shape_cast %lt3A_52 : vector<20x1xi1> to vector<20x1xi1>
      %broadcast_in_dim3A_77 = vector.broadcast %broadcast_in_dim3A_76 : vector<20x1xi1> to vector<20x256xi1>
      %get3A_78 = arith.constant 0 : index
      %get3A_79 = arith.constant 0 : index
      %get3A_80 = arith.constant 0 : index
      %get3A_81 = vector.load %arg7[%get3A_78, %get3A_79, %get3A_80] : memref<5x20x256xf32, #tpu.memory_space<vmem>>, vector<1x20x256xf32>
      %get3A_82 = vector.shape_cast %get3A_81 : vector<1x20x256xf32> to vector<20x256xf32>
      %jit3A_83 = arith.constant 0.000000e+00 : f32
      %broadcast_in_dim3A_84 = vector.broadcast %jit3A_83 : f32 to vector<20x256xf32>
      %select_n3A_85 = arith.select %broadcast_in_dim3A_77, %broadcast_in_dim3A_84, %get3A_82 : vector<20x256xi1>, vector<20x256xf32>
      %swap3A_86 = arith.constant 0 : index
      %swap3A_87 = arith.constant 0 : index
      %swap3A_88 = arith.constant 0 : index
      %swap3A_89 = vector.load %arg7[%swap3A_86, %swap3A_87, %swap3A_88] : memref<5x20x256xf32, #tpu.memory_space<vmem>>, vector<1x20x256xf32>
      %swap3A_90 = vector.shape_cast %swap3A_89 : vector<1x20x256xf32> to vector<20x256xf32>
      %swap3A_91 = vector.shape_cast %select_n3A_85 : vector<20x256xf32> to vector<1x20x256xf32>
      tpu.vector_store %arg7[%swap3A_86, %swap3A_87, %swap3A_88], %swap3A_91 {strides = array<i32>} : memref<5x20x256xf32, #tpu.memory_space<vmem>>, vector<1x20x256xf32>,
      %get3A_92 = arith.constant 1 : index
      %get3A_93 = arith.constant 0 : index
      %get3A_94 = arith.constant 0 : index
      %get3A_95 = vector.load %arg7[%get3A_92, %get3A_93, %get3A_94] : memref<5x20x256xf32, #tpu.memory_space<vmem>>, vector<1x20x256xf32>
      %get3A_96 = vector.shape_cast %get3A_95 : vector<1x20x256xf32> to vector<20x256xf32>
      %jit3A_97 = arith.constant 0.000000e+00 : f32
      %broadcast_in_dim3A_98 = vector.broadcast %jit3A_97 : f32 to vector<20x256xf32>
      %select_n3A_99 = arith.select %broadcast_in_dim3A_77, %broadcast_in_dim3A_98, %get3A_96 : vector<20x256xi1>, vector<20x256xf32>
      %swap3A_100 = arith.constant 1 : index
      %swap3A_101 = arith.constant 0 : index
      %swap3A_102 = arith.constant 0 : index
      %swap3A_103 = vector.load %arg7[%swap3A_100, %swap3A_101, %swap3A_102] : memref<5x20x256xf32, #tpu.memory_space<vmem>>, vector<1x20x256xf32>
      %swap3A_104 = vector.shape_cast %swap3A_103 : vector<1x20x256xf32> to vector<20x256xf32>
      %swap3A_105 = vector.shape_cast %select_n3A_99 : vector<20x256xf32> to vector<1x20x256xf32>
      tpu.vector_store %arg7[%swap3A_100, %swap3A_101, %swap3A_102], %swap3A_105 {strides = array<i32>} : memref<5x20x256xf32, #tpu.memory_space<vmem>>, vector<1x20x256xf32>,
      %get3A_106 = arith.constant 2 : index
      %get3A_107 = arith.constant 0 : index
      %get3A_108 = arith.constant 0 : index
      %get3A_109 = vector.load %arg7[%get3A_106, %get3A_107, %get3A_108] : memref<5x20x256xf32, #tpu.memory_space<vmem>>, vector<1x20x256xf32>
      %get3A_110 = vector.shape_cast %get3A_109 : vector<1x20x256xf32> to vector<20x256xf32>
      %jit3A_111 = arith.constant 0.000000e+00 : f32
      %broadcast_in_dim3A_112 = vector.broadcast %jit3A_111 : f32 to vector<20x256xf32>
      %select_n3A_113 = arith.select %broadcast_in_dim3A_77, %broadcast_in_dim3A_112, %get3A_110 : vector<20x256xi1>, vector<20x256xf32>
      %swap3A_114 = arith.constant 2 : index
      %swap3A_115 = arith.constant 0 : index
      %swap3A_116 = arith.constant 0 : index
      %swap3A_117 = vector.load %arg7[%swap3A_114, %swap3A_115, %swap3A_116] : memref<5x20x256xf32, #tpu.memory_space<vmem>>, vector<1x20x256xf32>
      %swap3A_118 = vector.shape_cast %swap3A_117 : vector<1x20x256xf32> to vector<20x256xf32>
      %swap3A_119 = vector.shape_cast %select_n3A_113 : vector<20x256xf32> to vector<1x20x256xf32>
      tpu.vector_store %arg7[%swap3A_114, %swap3A_115, %swap3A_116], %swap3A_119 {strides = array<i32>} : memref<5x20x256xf32, #tpu.memory_space<vmem>>, vector<1x20x256xf32>,
      %get3A_120 = arith.constant 3 : index
      %get3A_121 = arith.constant 0 : index
      %get3A_122 = arith.constant 0 : index
      %get3A_123 = vector.load %arg7[%get3A_120, %get3A_121, %get3A_122] : memref<5x20x256xf32, #tpu.memory_space<vmem>>, vector<1x20x256xf32>
      %get3A_124 = vector.shape_cast %get3A_123 : vector<1x20x256xf32> to vector<20x256xf32>
      %jit3A_125 = arith.constant 0.000000e+00 : f32
      %broadcast_in_dim3A_126 = vector.broadcast %jit3A_125 : f32 to vector<20x256xf32>
      %select_n3A_127 = arith.select %broadcast_in_dim3A_77, %broadcast_in_dim3A_126, %get3A_124 : vector<20x256xi1>, vector<20x256xf32>
      %swap3A_128 = arith.constant 3 : index
      %swap3A_129 = arith.constant 0 : index
      %swap3A_130 = arith.constant 0 : index
      %swap3A_131 = vector.load %arg7[%swap3A_128, %swap3A_129, %swap3A_130] : memref<5x20x256xf32, #tpu.memory_space<vmem>>, vector<1x20x256xf32>
      %swap3A_132 = vector.shape_cast %swap3A_131 : vector<1x20x256xf32> to vector<20x256xf32>
      %swap3A_133 = vector.shape_cast %select_n3A_127 : vector<20x256xf32> to vector<1x20x256xf32>
      tpu.vector_store %arg7[%swap3A_128, %swap3A_129, %swap3A_130], %swap3A_133 {strides = array<i32>} : memref<5x20x256xf32, #tpu.memory_space<vmem>>, vector<1x20x256xf32>,
      %get3A_134 = arith.constant 4 : index
      %get3A_135 = arith.constant 0 : index
      %get3A_136 = arith.constant 0 : index
      %get3A_137 = vector.load %arg7[%get3A_134, %get3A_135, %get3A_136] : memref<5x20x256xf32, #tpu.memory_space<vmem>>, vector<1x20x256xf32>
      %get3A_138 = vector.shape_cast %get3A_137 : vector<1x20x256xf32> to vector<20x256xf32>
      %jit3A_139 = arith.constant 0.000000e+00 : f32
      %broadcast_in_dim3A_140 = vector.broadcast %jit3A_139 : f32 to vector<20x256xf32>
      %select_n3A_141 = arith.select %broadcast_in_dim3A_77, %broadcast_in_dim3A_140, %get3A_138 : vector<20x256xi1>, vector<20x256xf32>
      %swap3A_142 = arith.constant 4 : index
      %swap3A_143 = arith.constant 0 : index
      %swap3A_144 = arith.constant 0 : index
      %swap3A_145 = vector.load %arg7[%swap3A_142, %swap3A_143, %swap3A_144] : memref<5x20x256xf32, #tpu.memory_space<vmem>>, vector<1x20x256xf32>
      %swap3A_146 = vector.shape_cast %swap3A_145 : vector<1x20x256xf32> to vector<20x256xf32>
      %swap3A_147 = vector.shape_cast %select_n3A_141 : vector<20x256xf32> to vector<1x20x256xf32>
      tpu.vector_store %arg7[%swap3A_142, %swap3A_143, %swap3A_144], %swap3A_147 {strides = array<i32>} : memref<5x20x256xf32, #tpu.memory_space<vmem>>, vector<1x20x256xf32>,
      %iota3A_148 = tpu.iota {dimensions = array<i32: 1>} : vector<20x20000xi32>
      %scan3A_149 = arith.constant 0 : i32
      %scan3A_150 = arith.constant 200 : i32
      %scan3A_151 = arith.addi %scan3A_149, %scan3A_150 : i32
      %scan3A_152 = arith.constant 1 : i32
      scf.for %scan3A_154 = %scan3A_149 to %scan3A_151 step %scan3A_152  : i32 {
        %get3A_155 = arith.constant 0 : index
        %get3A_156 = arith.constant 0 : index
        %get3A_157 = vector.load %arg10[%get3A_155, %get3A_156] : memref<20x20000xf32, #tpu.memory_space<vmem>>, vector<20x20000xf32>
        %get3A_158 = arith.constant 0 : index
        %get3A_159 = arith.constant 0 : index
        %get3A_160 = vector.load %arg6[%get3A_158, %get3A_159] : memref<8x20000xf32, #tpu.memory_space<vmem>>, vector<1x20000xf32>
        %get3A_161 = arith.constant 1 : index
        %get3A_162 = arith.constant 0 : index
        %get3A_163 = vector.load %arg6[%get3A_161, %get3A_162] : memref<8x20000xf32, #tpu.memory_space<vmem>>, vector<1x20000xf32>
        %get3A_164 = arith.constant 2 : index
        %get3A_165 = arith.constant 0 : index
        %get3A_166 = vector.load %arg6[%get3A_164, %get3A_165] : memref<8x20000xf32, #tpu.memory_space<vmem>>, vector<1x20000xf32>
        %get3A_167 = arith.constant 3 : index
        %get3A_168 = arith.constant 0 : index
        %get3A_169 = vector.load %arg6[%get3A_167, %get3A_168] : memref<8x20000xf32, #tpu.memory_space<vmem>>, vector<1x20000xf32>
        %reduce_max3A_170 = arith.constant dense<0xFF800000> : vector<20xf32>
        %reduce_max3A_171 = vector.multi_reduction <maximumf>, %get3A_157, %reduce_max3A_170 [1] : vector<20x20000xf32> to vector<20xf32>
        %broadcast_in_dim3A_172 = vector.shape_cast %reduce_max3A_171 : vector<20xf32> to vector<20x1xf32>
        %eq3A = vector.broadcast %broadcast_in_dim3A_172 : vector<20x1xf32> to vector<20x20000xf32>
        %eq3A_173 = arith.cmpf oeq, %get3A_157, %eq3A : vector<20x20000xf32>
        %jit3A_174 = arith.constant 20000 : i32
        %broadcast_in_dim3A_175 = vector.broadcast %jit3A_174 : i32 to vector<20x20000xi32>
        %select_n3A_176 = arith.select %eq3A_173, %iota3A_148, %broadcast_in_dim3A_175 : vector<20x20000xi1>, vector<20x20000xi32>
        %reduce_min3A = arith.constant dense<2147483647> : vector<20xi32>
        %reduce_min3A_177 = vector.multi_reduction <minsi>, %select_n3A_176, %reduce_min3A [1] : vector<20x20000xi32> to vector<20xi32>
        %broadcast_in_dim3A_178 = vector.shape_cast %reduce_min3A_177 : vector<20xi32> to vector<20x1xi32>
        %eq3A_179 = vector.broadcast %broadcast_in_dim3A_178 : vector<20x1xi32> to vector<20x20000xi32>
        %eq3A_180 = arith.cmpi eq, %iota3A_148, %eq3A_179 : vector<20x20000xi32>
        %convert_element_type3A_181 = arith.extui %eq3A_180 : vector<20x20000xi1> to vector<20x20000xi32>
        %convert_element_type3A_182 = arith.sitofp %convert_element_type3A_181 : vector<20x20000xi32> to vector<20x20000xf32>
        %mul3A_183 = vector.broadcast %get3A_160 : vector<1x20000xf32> to vector<20x20000xf32>
        %mul3A_184 = arith.mulf %convert_element_type3A_182, %mul3A_183 : vector<20x20000xf32>
        %reduce_sum3A = arith.constant dense<0.000000e+00> : vector<20xf32>
        %reduce_sum3A_185 = vector.multi_reduction <add>, %mul3A_184, %reduce_sum3A [1] : vector<20x20000xf32> to vector<20xf32>
        %broadcast_in_dim3A_186 = vector.shape_cast %reduce_sum3A_185 : vector<20xf32> to vector<20x1xf32>
        %mul3A_187 = vector.broadcast %get3A_163 : vector<1x20000xf32> to vector<20x20000xf32>
        %mul3A_188 = arith.mulf %convert_element_type3A_182, %mul3A_187 : vector<20x20000xf32>
        %reduce_sum3A_189 = arith.constant dense<0.000000e+00> : vector<20xf32>
        %reduce_sum3A_190 = vector.multi_reduction <add>, %mul3A_188, %reduce_sum3A_189 [1] : vector<20x20000xf32> to vector<20xf32>
        %broadcast_in_dim3A_191 = vector.shape_cast %reduce_sum3A_190 : vector<20xf32> to vector<20x1xf32>
        %mul3A_192 = vector.broadcast %get3A_166 : vector<1x20000xf32> to vector<20x20000xf32>
        %mul3A_193 = arith.mulf %convert_element_type3A_182, %mul3A_192 : vector<20x20000xf32>
        %reduce_sum3A_194 = arith.constant dense<0.000000e+00> : vector<20xf32>
        %reduce_sum3A_195 = vector.multi_reduction <add>, %mul3A_193, %reduce_sum3A_194 [1] : vector<20x20000xf32> to vector<20xf32>
        %broadcast_in_dim3A_196 = vector.shape_cast %reduce_sum3A_195 : vector<20xf32> to vector<20x1xf32>
        %mul3A_197 = vector.broadcast %get3A_169 : vector<1x20000xf32> to vector<20x20000xf32>
        %mul3A_198 = arith.mulf %convert_element_type3A_182, %mul3A_197 : vector<20x20000xf32>
        %reduce_sum3A_199 = arith.constant dense<0.000000e+00> : vector<20xf32>
        %reduce_sum3A_200 = vector.multi_reduction <add>, %mul3A_198, %reduce_sum3A_199 [1] : vector<20x20000xf32> to vector<20xf32>
        %broadcast_in_dim3A_201 = vector.shape_cast %reduce_sum3A_200 : vector<20xf32> to vector<20x1xf32>
        %gt3A_202 = arith.constant 0.000000e+00 : f32
        %gt3A_203 = vector.broadcast %gt3A_202 : f32 to vector<20x1xf32>
        %gt3A_204 = arith.cmpf ogt, %broadcast_in_dim3A_172, %gt3A_203 : vector<20x1xf32>
        %max3A_205 = vector.broadcast %broadcast_in_dim3A_186 : vector<20x1xf32> to vector<20x20000xf32>
        %max3A_206 = vector.broadcast %get3A_160 : vector<1x20000xf32> to vector<20x20000xf32>
        %max3A_207 = arith.maximumf %max3A_205, %max3A_206 : vector<20x20000xf32>
        %max3A_208 = vector.broadcast %broadcast_in_dim3A_191 : vector<20x1xf32> to vector<20x20000xf32>
        %max3A_209 = vector.broadcast %get3A_163 : vector<1x20000xf32> to vector<20x20000xf32>
        %max3A_210 = arith.maximumf %max3A_208, %max3A_209 : vector<20x20000xf32>
        %min3A = vector.broadcast %broadcast_in_dim3A_196 : vector<20x1xf32> to vector<20x20000xf32>
        %min3A_211 = vector.broadcast %get3A_166 : vector<1x20000xf32> to vector<20x20000xf32>
        %min3A_212 = arith.minimumf %min3A, %min3A_211 : vector<20x20000xf32>
        %min3A_213 = vector.broadcast %broadcast_in_dim3A_201 : vector<20x1xf32> to vector<20x20000xf32>
        %min3A_214 = vector.broadcast %get3A_169 : vector<1x20000xf32> to vector<20x20000xf32>
        %min3A_215 = arith.minimumf %min3A_213, %min3A_214 : vector<20x20000xf32>
        %sub3A_216 = arith.subf %min3A_212, %max3A_207 : vector<20x20000xf32>
        %max3A_217 = arith.constant 0.000000e+00 : f32
        %max3A_218 = vector.broadcast %max3A_217 : f32 to vector<20x20000xf32>
        %max3A_219 = arith.maximumf %sub3A_216, %max3A_218 : vector<20x20000xf32>
        %sub3A_220 = arith.subf %min3A_215, %max3A_210 : vector<20x20000xf32>
        %max3A_221 = arith.constant 0.000000e+00 : f32
        %max3A_222 = vector.broadcast %max3A_221 : f32 to vector<20x20000xf32>
        %max3A_223 = arith.maximumf %sub3A_220, %max3A_222 : vector<20x20000xf32>
        %mul3A_224 = arith.mulf %max3A_219, %max3A_223 : vector<20x20000xf32>
        %sub3A_225 = arith.subf %broadcast_in_dim3A_196, %broadcast_in_dim3A_186 : vector<20x1xf32>
        %max3A_226 = arith.constant 0.000000e+00 : f32
        %max3A_227 = vector.broadcast %max3A_226 : f32 to vector<20x1xf32>
        %max3A_228 = arith.maximumf %sub3A_225, %max3A_227 : vector<20x1xf32>
        %sub3A_229 = arith.subf %broadcast_in_dim3A_201, %broadcast_in_dim3A_191 : vector<20x1xf32>
        %max3A_230 = arith.constant 0.000000e+00 : f32
        %max3A_231 = vector.broadcast %max3A_230 : f32 to vector<20x1xf32>
        %max3A_232 = arith.maximumf %sub3A_229, %max3A_231 : vector<20x1xf32>
        %mul3A_233 = arith.mulf %max3A_228, %max3A_232 : vector<20x1xf32>
        %sub3A_234 = arith.subf %get3A_166, %get3A_160 : vector<1x20000xf32>
        %max3A_235 = arith.constant 0.000000e+00 : f32
        %max3A_236 = vector.broadcast %max3A_235 : f32 to vector<1x20000xf32>
        %max3A_237 = arith.maximumf %sub3A_234, %max3A_236 : vector<1x20000xf32>
        %sub3A_238 = arith.subf %get3A_169, %get3A_163 : vector<1x20000xf32>
        %max3A_239 = arith.constant 0.000000e+00 : f32
        %max3A_240 = vector.broadcast %max3A_239 : f32 to vector<1x20000xf32>
        %max3A_241 = arith.maximumf %sub3A_238, %max3A_240 : vector<1x20000xf32>
        %mul3A_242 = arith.mulf %max3A_237, %max3A_241 : vector<1x20000xf32>
        %add3A_243 = vector.broadcast %mul3A_233 : vector<20x1xf32> to vector<20x20000xf32>
        %add3A_244 = vector.broadcast %mul3A_242 : vector<1x20000xf32> to vector<20x20000xf32>
        %add3A_245 = arith.addf %add3A_243, %add3A_244 : vector<20x20000xf32>
        %sub3A_246 = arith.subf %add3A_245, %mul3A_224 : vector<20x20000xf32>
        %max3A_247 = arith.constant 9.99999993E-9 : f32
        %max3A_248 = vector.broadcast %max3A_247 : f32 to vector<20x20000xf32>
        %max3A_249 = arith.maximumf %sub3A_246, %max3A_248 : vector<20x20000xf32>
        %div3A = arith.divf %mul3A_224, %max3A_249 : vector<20x20000xf32>
        %ge3A = arith.constant 4.500000e-01 : f32
        %ge3A_250 = vector.broadcast %ge3A : f32 to vector<20x20000xf32>
        %ge3A_251 = arith.cmpf oge, %div3A, %ge3A_250 : vector<20x20000xf32>
        %jit3A_252 = arith.constant 0.000000e+00 : f32
        %broadcast_in_dim3A_253 = vector.broadcast %jit3A_252 : f32 to vector<20x20000xf32>
        %select_n3A_254 = arith.select %ge3A_251, %broadcast_in_dim3A_253, %get3A_157 : vector<20x20000xi1>, vector<20x20000xf32>
        %swap3A_255 = arith.constant 0 : index
        %swap3A_256 = arith.constant 0 : index
        %swap3A_257 = vector.load %arg10[%swap3A_255, %swap3A_256] : memref<20x20000xf32, #tpu.memory_space<vmem>>, vector<20x20000xf32>
        tpu.vector_store %arg10[%swap3A_255, %swap3A_256], %select_n3A_254 {strides = array<i32>} : memref<20x20000xf32, #tpu.memory_space<vmem>>, vector<20x20000xf32>,
        %eq3A_258 = vector.broadcast %scan3A_154 : i32 to vector<20x256xi32>
        %eq3A_259 = arith.cmpi eq, %iota3A_24, %eq3A_258 : vector<20x256xi32>
        %and3A = vector.broadcast %gt3A_204 : vector<20x1xi1> to vector<20x256xi1>
        %and3A_260 = arith.andi %eq3A_259, %and3A : vector<20x256xi1>
        %get3A_261 = arith.constant 0 : index
        %get3A_262 = arith.constant 0 : index
        %get3A_263 = arith.constant 0 : index
        %get3A_264 = vector.load %arg7[%get3A_261, %get3A_262, %get3A_263] : memref<5x20x256xf32, #tpu.memory_space<vmem>>, vector<1x20x256xf32>
        %get3A_265 = vector.shape_cast %get3A_264 : vector<1x20x256xf32> to vector<20x256xf32>
        %broadcast_in_dim3A_266 = vector.shape_cast %broadcast_in_dim3A_186 : vector<20x1xf32> to vector<20x1xf32>
        %broadcast_in_dim3A_267 = vector.broadcast %broadcast_in_dim3A_266 : vector<20x1xf32> to vector<20x256xf32>
        %select_n3A_268 = arith.select %and3A_260, %broadcast_in_dim3A_267, %get3A_265 : vector<20x256xi1>, vector<20x256xf32>
        %swap3A_269 = arith.constant 0 : index
        %swap3A_270 = arith.constant 0 : index
        %swap3A_271 = arith.constant 0 : index
        %swap3A_272 = vector.load %arg7[%swap3A_269, %swap3A_270, %swap3A_271] : memref<5x20x256xf32, #tpu.memory_space<vmem>>, vector<1x20x256xf32>
        %swap3A_273 = vector.shape_cast %swap3A_272 : vector<1x20x256xf32> to vector<20x256xf32>
        %swap3A_274 = vector.shape_cast %select_n3A_268 : vector<20x256xf32> to vector<1x20x256xf32>
        tpu.vector_store %arg7[%swap3A_269, %swap3A_270, %swap3A_271], %swap3A_274 {strides = array<i32>} : memref<5x20x256xf32, #tpu.memory_space<vmem>>, vector<1x20x256xf32>,
        %get3A_275 = arith.constant 1 : index
        %get3A_276 = arith.constant 0 : index
        %get3A_277 = arith.constant 0 : index
        %get3A_278 = vector.load %arg7[%get3A_275, %get3A_276, %get3A_277] : memref<5x20x256xf32, #tpu.memory_space<vmem>>, vector<1x20x256xf32>
        %get3A_279 = vector.shape_cast %get3A_278 : vector<1x20x256xf32> to vector<20x256xf32>
        %broadcast_in_dim3A_280 = vector.shape_cast %broadcast_in_dim3A_191 : vector<20x1xf32> to vector<20x1xf32>
        %broadcast_in_dim3A_281 = vector.broadcast %broadcast_in_dim3A_280 : vector<20x1xf32> to vector<20x256xf32>
        %select_n3A_282 = arith.select %and3A_260, %broadcast_in_dim3A_281, %get3A_279 : vector<20x256xi1>, vector<20x256xf32>
        %swap3A_283 = arith.constant 1 : index
        %swap3A_284 = arith.constant 0 : index
        %swap3A_285 = arith.constant 0 : index
        %swap3A_286 = vector.load %arg7[%swap3A_283, %swap3A_284, %swap3A_285] : memref<5x20x256xf32, #tpu.memory_space<vmem>>, vector<1x20x256xf32>
        %swap3A_287 = vector.shape_cast %swap3A_286 : vector<1x20x256xf32> to vector<20x256xf32>
        %swap3A_288 = vector.shape_cast %select_n3A_282 : vector<20x256xf32> to vector<1x20x256xf32>
        tpu.vector_store %arg7[%swap3A_283, %swap3A_284, %swap3A_285], %swap3A_288 {strides = array<i32>} : memref<5x20x256xf32, #tpu.memory_space<vmem>>, vector<1x20x256xf32>,
        %get3A_289 = arith.constant 2 : index
        %get3A_290 = arith.constant 0 : index
        %get3A_291 = arith.constant 0 : index
        %get3A_292 = vector.load %arg7[%get3A_289, %get3A_290, %get3A_291] : memref<5x20x256xf32, #tpu.memory_space<vmem>>, vector<1x20x256xf32>
        %get3A_293 = vector.shape_cast %get3A_292 : vector<1x20x256xf32> to vector<20x256xf32>
        %broadcast_in_dim3A_294 = vector.shape_cast %broadcast_in_dim3A_196 : vector<20x1xf32> to vector<20x1xf32>
        %broadcast_in_dim3A_295 = vector.broadcast %broadcast_in_dim3A_294 : vector<20x1xf32> to vector<20x256xf32>
        %select_n3A_296 = arith.select %and3A_260, %broadcast_in_dim3A_295, %get3A_293 : vector<20x256xi1>, vector<20x256xf32>
        %swap3A_297 = arith.constant 2 : index
        %swap3A_298 = arith.constant 0 : index
        %swap3A_299 = arith.constant 0 : index
        %swap3A_300 = vector.load %arg7[%swap3A_297, %swap3A_298, %swap3A_299] : memref<5x20x256xf32, #tpu.memory_space<vmem>>, vector<1x20x256xf32>
        %swap3A_301 = vector.shape_cast %swap3A_300 : vector<1x20x256xf32> to vector<20x256xf32>
        %swap3A_302 = vector.shape_cast %select_n3A_296 : vector<20x256xf32> to vector<1x20x256xf32>
        tpu.vector_store %arg7[%swap3A_297, %swap3A_298, %swap3A_299], %swap3A_302 {strides = array<i32>} : memref<5x20x256xf32, #tpu.memory_space<vmem>>, vector<1x20x256xf32>,
        %get3A_303 = arith.constant 3 : index
        %get3A_304 = arith.constant 0 : index
        %get3A_305 = arith.constant 0 : index
        %get3A_306 = vector.load %arg7[%get3A_303, %get3A_304, %get3A_305] : memref<5x20x256xf32, #tpu.memory_space<vmem>>, vector<1x20x256xf32>
        %get3A_307 = vector.shape_cast %get3A_306 : vector<1x20x256xf32> to vector<20x256xf32>
        %broadcast_in_dim3A_308 = vector.shape_cast %broadcast_in_dim3A_201 : vector<20x1xf32> to vector<20x1xf32>
        %broadcast_in_dim3A_309 = vector.broadcast %broadcast_in_dim3A_308 : vector<20x1xf32> to vector<20x256xf32>
        %select_n3A_310 = arith.select %and3A_260, %broadcast_in_dim3A_309, %get3A_307 : vector<20x256xi1>, vector<20x256xf32>
        %swap3A_311 = arith.constant 3 : index
        %swap3A_312 = arith.constant 0 : index
        %swap3A_313 = arith.constant 0 : index
        %swap3A_314 = vector.load %arg7[%swap3A_311, %swap3A_312, %swap3A_313] : memref<5x20x256xf32, #tpu.memory_space<vmem>>, vector<1x20x256xf32>
        %swap3A_315 = vector.shape_cast %swap3A_314 : vector<1x20x256xf32> to vector<20x256xf32>
        %swap3A_316 = vector.shape_cast %select_n3A_310 : vector<20x256xf32> to vector<1x20x256xf32>
        tpu.vector_store %arg7[%swap3A_311, %swap3A_312, %swap3A_313], %swap3A_316 {strides = array<i32>} : memref<5x20x256xf32, #tpu.memory_space<vmem>>, vector<1x20x256xf32>,
        %get3A_317 = arith.constant 4 : index
        %get3A_318 = arith.constant 0 : index
        %get3A_319 = arith.constant 0 : index
        %get3A_320 = vector.load %arg7[%get3A_317, %get3A_318, %get3A_319] : memref<5x20x256xf32, #tpu.memory_space<vmem>>, vector<1x20x256xf32>
        %get3A_321 = vector.shape_cast %get3A_320 : vector<1x20x256xf32> to vector<20x256xf32>
        %broadcast_in_dim3A_322 = vector.shape_cast %broadcast_in_dim3A_172 : vector<20x1xf32> to vector<20x1xf32>
        %broadcast_in_dim3A_323 = vector.broadcast %broadcast_in_dim3A_322 : vector<20x1xf32> to vector<20x256xf32>
        %select_n3A_324 = arith.select %and3A_260, %broadcast_in_dim3A_323, %get3A_321 : vector<20x256xi1>, vector<20x256xf32>
        %swap3A_325 = arith.constant 4 : index
        %swap3A_326 = arith.constant 0 : index
        %swap3A_327 = arith.constant 0 : index
        %swap3A_328 = vector.load %arg7[%swap3A_325, %swap3A_326, %swap3A_327] : memref<5x20x256xf32, #tpu.memory_space<vmem>>, vector<1x20x256xf32>
        %swap3A_329 = vector.shape_cast %swap3A_328 : vector<1x20x256xf32> to vector<20x256xf32>
        %swap3A_330 = vector.shape_cast %select_n3A_324 : vector<20x256xf32> to vector<1x20x256xf32>
        tpu.vector_store %arg7[%swap3A_325, %swap3A_326, %swap3A_327], %swap3A_330 {strides = array<i32>} : memref<5x20x256xf32, #tpu.memory_space<vmem>>, vector<1x20x256xf32>,
      }
      %scan3A_153 = arith.constant 200 : i32
    } else {
    }
    return
  }
}

</mosaic_0001>

<sc_bundles>
// kernel: kernel.5.cloned.1.call-start
scs
__scs_entry_jumppad:
0x0: {  	(pc) =	sbr.rel $0x88, $3  }
0x1: {  	(tag) =	ssettag $0x0;
	lr =	simm.s32 $0x1  }
0x2: {  	[smem:$0x3F9C] =	sst lr;
	_ =	strace $0xD0000000  }
0x3: {  	_ = 	snop  }
0x4: {  	_ = 	snop  }
0x5: {  	_ = 	snop  }
0x6: {  	_ = 	snop  }
0x7: {  	_ = 	snop  }
__scs_overlays_trampoline_lowered:
0x8: {  	[smem:$0x3FAB] =	sst s0  }
0x9: {  	[smem:$0x3FAC] =	sst s1  }
0xa: {  	[smem:$0x3FAD] =	sst s2  }
0xb: {  	[smem:$0x3FAE] =	sst s3  }
0xc: {  	[smem:$0x3FAF] =	sst s4  }
0xd: {  	[smem:$0x3FB0] =	sst s5  }
0xe: {  	[smem:$0x3FB1] =	sst s6  }
0xf: {  	[smem:$0x3FB2] =	sst s7  }
0x10: {  	[smem:$0x3FB3] =	sst s8  }
0x11: {  	[smem:$0x3FB4] =	sst s9;
	s0 =	simm.s32 @!p0 $0x0  }
0x12: {  	s1 =	sld [smem:$0x3F9A];
	s0 =	simm.s32 @p0 $0x1  }
0x13: {  	[smem:$0x3FB5] =	sst s0;
	s0 =	simm.s32 @!p1 $0x0  }
0x14: {  	s2 =	sld [smem:$0x3F99];
	s0 =	simm.s32 @p1 $0x1  }
0x15: {  	[smem:$0x3FB6] =	sst s0;
	s0 =	simm.s32 @!p2 $0x0  }
0x16: {  	s3 =	sld [smem:$0x3FDB];
	s0 =	simm.s32 @p2 $0x1  }
0x17: {  	s4 =	simm.s32 $0x1BF5;
	[smem:$0x3FB8] =	sst s0  }
0x18: {  	s0 =	sld [smem:$0x3F9B];
	_ =	swait.ge [sflag:s4], $0x0  }
0x19: {  	s7 =	sld [smem:$0x3F9C]  }
0x1a: {  	s8 =	sadd.s32 $0xFFFFE003, lr  }
0x1b: {  	s9 =	sadd.s32 $0xFFFFFEF7, lr;
	s5 =	simm.s32 $0xFFFFFFFF;
	p2 =	slt.u32 s8, $0xFFFFF086  }
0x1c: {  	p1 =	slt.u32 s9, $0xF7A;
	s5 =	simm.s32 @!p2 $0x0  }
0x1d: {  	s5 =	simm.s32 @p1 $0x1;
	p0 =	seq.s32 s7, s2  }
0x1e: {  	s7 =	smul.u32 @!p0 $0xF7A, s2;
	p2 =	seq.s32 @!p0 s5, $0x0  }
0x1f: {  	s9 =	smul.u32 $0xF7A, s1;
	s8 =	simm.s32 @!p0 $0x1BF5;
	p2 =	por !p2, p0  }
0x20: {  	[sflag:s8] =	ssyncset.s32 @!p0 $0xFFFFF086;
	s6 =	sadd.s32 @!p0 s3, s7;
	s7 =	simm.s32 @!p0 $0x108  }
0x21: {  	s3 =	sadd.s32 s3, s9;
	s6 =	sadd.s32 @!p0 $0x88, s6;
	s7 =	simm.s32 @p2 $0x1082  }
0x22: {  	[simem:s7], [sflag:s8] =	dma.local @!p0 [hbm:s6], $0xF7A  }
0x23: {  	s9 =	sor.u32 $0xD0000000, s2;
	s6 =	simm.s32 $0x108;
	_ =	swait.ge @!p0 [sflag:s8], $0x0  }
0x24: {  	s3 =	sadd.s32 $0x88, s3;
	s6 =	simm.s32 @!p1 $0x1082;
	[sflag:s4] =	ssyncset.s32 $0xFFFFF086  }
0x25: {  	[simem:s6], [sflag:s4] =	dma.local [hbm:s3], $0xF7A  }
0x26: {  	[smem:$0x3F9C] =	sst s1;
	(tag) =	ssettag s2;
	_ =	strace s9  }
0x27: {  	s1 =	sld [smem:$0x3FAC]  }
0x28: {  	s2 =	sld [smem:$0x3FAD]  }
0x29: {  	s4 =	sld [smem:$0x3FAF]  }
0x2a: {  	p0 =	seq.s32 s5, $0x0;
	s5 =	sld [smem:$0x3FB0]  }
0x2b: {  	s6 =	sld [smem:$0x3FB1]  }
0x2c: {  	s7 =	sld [smem:$0x3FB2]  }
0x2d: {  	s3 =	simm.s32 $0x108;
	s8 =	sld [smem:$0x3FB3]  }
0x2e: {  	s3 =	simm.s32 @!p0 $0x1082;
	s9 =	sld [smem:$0x3FB4]  }
0x2f: {  	lr =	sadd.s32 s0, s3;
	s0 =	sld [smem:$0x3FAB]  }
0x30: {  	s3 =	sld [smem:$0x3FAE]  }
0x31: {  	[smem:$0x3FB7] =	sst s10  }
0x32: {  	s10 =	sld [smem:$0x3FB5];
	_ =	sdelay $0x3  }
0x33: {  	p0 =	seq.s32 s10, $0x1;
	s10 =	sld [smem:$0x3FB7];
	_ =	sdelay $0x3  }
0x34: {  	[smem:$0x3FB7] =	sst s10  }
0x35: {  	s10 =	sld [smem:$0x3FB6];
	_ =	sdelay $0x3  }
0x36: {  	p1 =	seq.s32 s10, $0x1;
	s10 =	sld [smem:$0x3FB7];
	_ =	sdelay $0x3  }
0x37: {  	[smem:$0x3FB7] =	sst s10  }
0x38: {  	s10 =	sld [smem:$0x3FB8]  }
0x39: {  	_ = 	snop;
	(pc) =	sbr.ind lr, $3  }
0x3a: {  	_ = 	snop  }
0x3b: {  	_ = 	snop  }
0x3c: {  	p2 =	seq.s32 s10, $0x1;
	s10 =	sld [smem:$0x3FB7]  }
0x3d: {  	_ =	shalt  }
0x3e: {  	_ =	shalt  }
0x3f: {  	_ =	shalt  }
0x40: {  	_ =	shalt  }
0x41: {  	_ =	shalt  }
0x42: {  	_ =	shalt  }
0x43: {  	_ =	shalt  }
0x44: {  	_ =	shalt  }
0x45: {  	_ =	shalt  }
0x46: {  	_ =	shalt  }
0x47: {  	_ =	shalt  }
0x48: {  	_ =	shalt  }
0x49: {  	_ =	shalt  }
0x4a: {  	_ =	shalt  }
0x4b: {  	_ =	shalt  }
0x4c: {  	_ =	shalt  }
0x4d: {  	_ =	shalt  }
0x4e: {  	_ =	shalt  }
0x4f: {  	_ =	shalt  }
0x50: {  	_ =	shalt  }
0x51: {  	_ =	shalt  }
0x52: {  	_ =	shalt  }
0x53: {  	_ =	shalt  }
0x54: {  	_ =	shalt  }
0x55: {  	_ =	shalt  }
0x56: {  	_ =	shalt  }
0x57: {  	_ =	shalt  }
0x58: {  	_ =	shalt  }
0x59: {  	_ =	shalt  }
0x5a: {  	_ =	shalt  }
0x5b: {  	_ =	shalt  }
0x5c: {  	_ =	shalt  }
0x5d: {  	_ =	shalt  }
0x5e: {  	_ =	shalt  }
0x5f: {  	_ =	shalt  }
0x60: {  	_ =	shalt  }
0x61: {  	_ =	shalt  }
0x62: {  	_ =	shalt  }
0x63: {  	_ =	shalt  }
0x64: {  	_ =	shalt  }
0x65: {  	_ =	shalt  }
0x66: {  	_ =	shalt  }
0x67: {  	_ =	shalt  }
0x68: {  	_ =	shalt  }
0x69: {  	_ =	shalt  }
0x6a: {  	_ =	shalt  }
0x6b: {  	_ =	shalt  }
0x6c: {  	_ =	shalt  }
0x6d: {  	_ =	shalt  }
0x6e: {  	_ =	shalt  }
0x6f: {  	_ =	shalt  }
0x70: {  	_ =	shalt  }
0x71: {  	_ =	shalt  }
0x72: {  	_ =	shalt  }
0x73: {  	_ =	shalt  }
0x74: {  	_ =	shalt  }
0x75: {  	_ =	shalt  }
0x76: {  	_ =	shalt  }
0x77: {  	_ =	shalt  }
0x78: {  	_ =	shalt  }
0x79: {  	_ =	shalt  }
0x7a: {  	_ =	shalt  }
0x7b: {  	_ =	shalt  }
0x7c: {  	_ =	shalt  }
0x7d: {  	_ =	shalt  }
0x7e: {  	_ =	shalt  }
0x7f: {  	_ =	shalt  }
0x80: {  	_ =	shalt  }
0x81: {  	_ =	shalt  }
0x82: {  	_ =	shalt  }
0x83: {  	_ =	shalt  }
0x84: {  	_ =	shalt  }
0x85: {  	_ =	shalt  }
0x86: {  	_ =	shalt  }
0x87: {  	_ =	shalt  }
.Lfunc_end0:
.L_simem_size_0:
called_computation_lowered:
.L_overlay_start_0:
0x88: {  	s2 =	sld [smem:$0x3FD9]  }
0x89: {  	s3 =	sld [smem:$0x3FFE];
	_ =	sdelay $0x1  }
0x8a: {  	s1 =	srdreg.scid  }
0x8b: {  	s0 =	sand.u32 $0x1, s1  }
0x8c: {  	s17 =	sshll.u32 s0, $0xA;
	s2 =	sadd.s32 s3, s2  }
0x8d: {  	s2 =	sadd.s32 s2, s17  }
0x8e: {  	[smem:$0x3FC3] =	sst s2  }
0x8f: {  	_ = 	snop  }
0x90: {  	s2 =	sld [smem:$0x3FD0];
	(tm) =	ssettm $0x1  }
0x91: {  	s18 =	sld [smem:$0x3FFB];
	_ =	sdelay $0x3  }
0x92: {  	_ =	strace s18  }
0x93: {  	s3 =	sld [smem:$0x3FFC];
	_ =	sdelay $0x3  }
0x94: {  	_ =	strace s3  }
0x95: {  	s3 =	sld [smem:$0x3FFD];
	_ =	sdelay $0x3  }
0x96: {  	_ =	strace s3  }
0x97: {  	_ =	strace $0x8FFFFFFF  }
0x98: {  	s19 =	sld [smem:$0x3FDB];
	_ =	sdelay $0x1  }
0x99: {  	s4 =	simm.s32 $_scs_section_size  }
0x9a: {  	s5 =	simm.s32 $_size__tile_overlayer_lowered;
	s6 =	simm.s32 $_tile_overlayer_lowered  }
0x9b: {  	s22 =	simm.s32 $0x1BFF;
	s21 =	sshll.u32 s6, $0x1;
	s3 =	sadd.s32 s4, s19  }
0x9c: {  	s7 =	simm.s32 $0x0;
	s20 =	sshll.u32 s5, $0x1;
	s5 =	sadd.s32 s21, s3  }
0x9d: {  	[timem:s7], [sflag:s22] =	dma.local [hbm:s5], s20  }
0x9e: {  	_ =	swait.ge [sflag:s22], s20  }
0x9f: {  	s4 =	ssub.s32 $0x0, s20;
	[sflag:s22] =	ssyncset.done $0x0  }
0xa0: {  	[sflag:s22] =	ssyncadd.s32 s4;
	_ =	sdelay $0x1  }
0xa1: {  	s23 =	simm.s32 $0x1B8B  }
0xa2: {  	_ =	swait.ge [sflag:s23], $0x1  }
0xa3: {  	[sflag:s23] =	ssyncset.done $0x0  }
0xa4: {  	s25 =	simm.s32 $0x1B8E;
	s24 =	sld [smem:$0x3FFE];
	[sflag:s23] =	ssyncadd.s32 $0xFFFFFFFF  }
0xa5: {  	s26 =	simm.s32 $execute0_lowered;
	[smem:$0x3FD2] =	sst s25  }
0xa6: {  	s5 =	sshll.u32 s26, $0x1;
	_ =	strace $0x80000046;
	[dreg:$0x1] =	wrdreg $0xFFFFFFFF  }
0xa7: {  	s28 =	simm.s32 $_size_execute0_lowered;
	s3 =	sadd.s32 s3, s5;
	[dreg:$0x0] =	wrdreg $0x0  }
0xa8: {  	s5 =	sshll.u32 s28, $0x1;
	[dreg:$0x2] =	wrdreg s3  }
0xa9: {  	[dreg:$0x3] =	wrdreg s5  }
0xaa: {  	[dreg:$0x4] =	wrdreg $0xC0  }
0xab: {  	_ =	task [dreg:s7], $0x5FFFF  }
0xac: {  	[dreg:$0x1] =	wrdreg $0xFFFFFFFF  }
0xad: {  	[dreg:$0x0] =	wrdreg $0x60  }
0xae: {  	[dreg:$0x2] =	wrdreg s24  }
0xaf: {  	[dreg:$0x3] =	wrdreg s2  }
0xb0: {  	[dreg:$0x4] =	wrdreg $0x9  }
0xb1: {  	_ =	task.clear_ibuf [dreg:s7], $0x5FFFF;
	_ =	strace $0x90000046  }
0xb2: {  	s29 =	simm.s32 $0x9;
	_ =	strace $0x80000048  }
0xb3: {  	_ =	swait.ge [sflag:s29], $0x1  }
0xb4: {  	[sflag:s29] =	ssyncadd.s32 $0xFFFFFFFF  }
0xb5: {  	_ =	strace $0x90000048  }
0xb6: {  	_ =	sfence  }
0xb7: {  	s30 =	sld [smem:$0x0];
	_ =	sdelay $0x2  }
0xb8: {  	s31 =	sshll.u32 s1, $0xD;
	s1 =	sshrl.u32 s1, $0x2  }
0xb9: {  	s3 =	sand.u32 $0x4000, s31;
	s1 =	sadd.s32 s1, s30  }
0xba: {  	s0 =	sor.u32 s3, s0;
	s1 =	sshll.u32 s1, $0x11  }
0xbb: {  	s0 =	sor.u32 s1, s0  }
0xbc: {  	s0 =	sadd.s32 $0x8F2B, s0  }
0xbd: {  	[sflag:s0] =	ssyncadd.remote.s32 $0x1  }
0xbe: {  	_ =	sfence.sel $0xFFFF  }
0xbf: {  	[dreg:$0x0] =	wrdreg $0xFFFFFFFF;
	(pc) =	sbr.abs _section_cstart, $3  }
0xc0: {  	[dreg:$0x1] =	wrdreg $0xFFFFFFFF  }
0xc1: {  	_ =	task.clear_ibuf [dreg:s7], $0x2FFFF;
	_ =	strace $0x9FFFFFFF  }
0xc2: {  	(tm) =	ssettm $0x7FFFFFFF  }
0xc3: {  	_ =	shalt  }
tec
execute0_lowered:
.L_overlay_start_1:
0x0: {  	(tag) =	ssettag $0x1  }
0x1: {  	s0 =	srdreg.scid  }
0x2: {  	s9 =	sand.u32 $0x1, s0  }
0x3: {  	s1 =	stileid.u32;
	s3 =	sshll.u32 s9, $0x4  }
0x4: {  	s3 =	sor.u32 s1, s3  }
0x5: {  	p0 =	sgt.u32 s3, $0x13  }
.Ltmp0:
0x6: {  	_ = 	snop;
	(pc) =	sbr.rel @p0 .LBB2_19-.Ltmp0, $4  }
0x7: {  	s6 =	rddreg [dreg:$0x0]  }
0x8: {  	s7 =	rddreg [dreg:$0x1];
	s2 =	simm.s32 $0x0  }
0x9: {  	[smem:$0x7FF] =	sst s2  }
0xa: {  	s0 =	rddreg [dreg:$0x2];
	_ =	strace $0x80000047  }
0xb: {  	s8 =	sshrl.u32 s3, $0x3  }
0xc: {  	s29 =	sshll.u32 s1, $0x7;
	s12 =	sadd.s32 $0x2200, s6;
	s4 =	sadd.s32 $0x10E10, s6  }
0xd: {  	s5 =	sadd.s32 $0x10E20, s6;
	s31 =	ssub.s32 $0x2, s9;
	s16 =	simm.s32 $0x1  }
0xe: {  	s17 =	simm.s32 $0x4E80;
	s18 =	simm.s32 $0x9D00;
	s19 =	simm.s32 $0xEB80  }
0xf: {  	s20 =	simm.s32 $0x13A00;
	s21 =	simm.s32 $0x18880;
	s10 =	sand.u32 $0x380, s29  }
0x10: {  	s30 =	sshll.u32 s8, $0xD;
	s14 =	smul.u32 $0x27400, s8;
	s15 =	sshrl.u32 s31, $0x1  }
0x11: {  	s22 =	simm.s32 $0x19080;
	s3 =	sor.u32 s10, s30;
	s15 =	ssub.s32 s31, s15  }
0x12: {  	s11 =	sshrl.u32 s3, $0x3;
	s3 =	sadd.s32 $0x10E00, s6;
	s14 =	sor.u32 s10, s14  }
0x13: {  	s13 =	sadd.s32 s11, s6;
	s6 =	sadd.s32 $0x10E30, s6;
	s7 =	sadd.s32 s7, s11  }
0x14: {  	s14 =	sshrl.u32 s14, $0x3;
	s8 =	sadd.s32 $0x15E00, s13;
	s9 =	sadd.s32 $0x16A00, s13  }
0x15: {  	s10 =	sadd.s32 $0x17600, s13;
	s11 =	sadd.s32 $0x18200, s13;
	s12 =	sadd.s32 s12, s14  }
0x16: {  	v0 =	vimm.f32 $0.0e+00;
	v1 =	vimm.s32 $0x0;
	v2 =	vlaneseq.u32;
	s13 =	smax.u32 s15, $0x1;
	s14 =	simm.s32 $0x80;
	s15 =	simm.s32 $0x400  }
.LBB2_2:
0x17: {  	s23 =	simm.s32 $0x0  }
0x18: {  	[tilespmem:s23], [sflag:$0x1] =	stream.strided.gather [hbm4b:s12+s14], $0x4E80, s15, s14, $0x38;
	[tilespmem:$0x19480] =	vst v63  }
0x19: {  	_ =	swait.ge [sflag:s16], $0x4E80  }
0x1a: {  	[sflag:s16] =	ssyncset.done $0x0  }
0x1b: {  	[sflag:s16] =	ssyncadd.s32 $0xFFFFB180  }
0x1c: {  	[tilespmem:s17], [sflag:$0x1] =	stream.strided.gather [hbm4b:s3+s14], $0x4E80, s15, s14, $0x38;
	[tilespmem:$0x19480] =	vst v63  }
0x1d: {  	_ =	swait.ge [sflag:s16], $0x4E80  }
0x1e: {  	[sflag:s16] =	ssyncset.done $0x0  }
0x1f: {  	[sflag:s16] =	ssyncadd.s32 $0xFFFFB180  }
0x20: {  	[tilespmem:s18], [sflag:$0x1] =	stream.strided.gather [hbm4b:s4+s14], $0x4E80, s15, s14, $0x38;
	[tilespmem:$0x19480] =	vst v63  }
0x21: {  	_ =	swait.ge [sflag:s16], $0x4E80  }
0x22: {  	[sflag:s16] =	ssyncset.done $0x0  }
0x23: {  	[sflag:s16] =	ssyncadd.s32 $0xFFFFB180  }
0x24: {  	[tilespmem:s19], [sflag:$0x1] =	stream.strided.gather [hbm4b:s5+s14], $0x4E80, s15, s14, $0x38;
	[tilespmem:$0x19480] =	vst v63  }
0x25: {  	_ =	swait.ge [sflag:s16], $0x4E80  }
0x26: {  	[sflag:s16] =	ssyncset.done $0x0  }
0x27: {  	[sflag:s16] =	ssyncadd.s32 $0xFFFFB180  }
0x28: {  	[tilespmem:s20], [sflag:$0x1] =	stream.strided.gather [hbm4b:s6+s14], $0x4E80, s15, s14, $0x38;
	[tilespmem:$0x19480] =	vst v63  }
0x29: {  	_ =	swait.ge [sflag:s16], $0x4E80  }
0x2a: {  	[sflag:s16] =	ssyncset.done $0x0  }
0x2b: {  	s24 =	simm.s32 $0x0;
	[sflag:s16] =	ssyncadd.s32 $0xFFFFB180  }
.LBB2_3:
0x2c: {  	p0 =	sne.s32 s24, $0xFC0  }
.Ltmp1:
0x2d: {  	_ = 	snop;
	(pc) =	sbr.rel @p0 .LBB2_3-.Ltmp1, $4  }
0x2e: {  	_ = 	snop  }
0x2f: {  	s25 =	sshra.s32 s24, $0x2  }
0x30: {  	[tilespmem:s25+$0x18880] =	vst v0  }
0x31: {  	s24 =	sadd.s32 $0x40, s24;
	[tilespmem:s25+$0x18C80] =	vst v1  }
0x32: {  	s24 =	simm.s32 $0x20  }
0x33: {  	v3 =	vld [tilespmem:s24+$0xFFFFFFE0];
	_ =	sdelay $0x4  }
0x34: {  	vm0 =	vgt.f32 v3, $9.599999780e-01  }
0x35: {  	v4 =	vsel vm0, $0x1, v1  }
0x36: {  	(xrf0) =	vadd.scan.msk.s32 $0xffff, v4;
	_ =	sdelay $0x5  }
0x37: {  	v4, _, _ =	vpop (xrf0)  }
0x38: {  	(v2sf) =	vpush v4, $0xF;
	_ =	sdelay $0x4  }
0x39: {  	p0 =	por $0x1, $0x1  }
0x3a: {  	s25 =	simm.s32 $0x0;
	s23 =	simm.s32 @!p0 $0x3F0  }
0x3b: {  	[tilespmem:s23+$0x18880] =	vst.msk vm0, v3;
	v3 =	vor.u32 s25, v2  }
0x3c: {  	[tilespmem:s23+$0x18C80] =	vst.msk vm0, v3  }
0x3d: {  	v3 =	vld [tilespmem:s24+$0xFFFFFFF0];
	_ =	sdelay $0x4  }
0x3e: {  	vm0 =	vgt.f32 v3, $9.599999780e-01  }
0x3f: {  	v4 =	vsel vm0, $0x1, v1;
	s29 =	spop (v2sf)  }
0x40: {  	(xrf0) =	vadd.scan.msk.s32 $0xffff, v4;
	s23 =	sadd.s32 $0x0, s29  }
0x41: {  	p0 =	slt.s32 s23, $0x3F0;
	s25 =	smov.u32 s23  }
0x42: {  	s26 =	simm.s32 $0x10;
	s25 =	simm.s32 @!p0 $0x3F0  }
0x43: {  	[tilespmem:s25+$0x18880] =	vst.msk vm0, v3;
	v3 =	vor.u32 s26, v2  }
0x44: {  	[tilespmem:s25+$0x18C80] =	vst.msk vm0, v3  }
0x45: {  	v4 =	vld [tilespmem:s24+$0x0]  }
0x46: {  	v3, _, _ =	vpop (xrf0)  }
0x47: {  	(v2sf) =	vpush v3, $0xF;
	_ =	sdelay $0x2  }
0x48: {  	vm0 =	vgt.f32 v4, $9.599999780e-01  }
0x49: {  	v3 =	vsel vm0, $0x1, v1  }
0x4a: {  	(xrf0) =	vadd.scan.msk.s32 $0xffff, v3;
	_ =	sdelay $0x5  }
0x4b: {  	v3, _, _ =	vpop (xrf0)  }
0x4c: {  	(v2sf) =	vpush v3, $0xF;
	_ =	sdelay $0x2  }
0x4d: {  	s30 =	spop (v2sf)  }
0x4e: {  	s23 =	sadd.s32 s23, s30  }
0x4f: {  	p0 =	slt.s32 s23, $0x3F0;
	s25 =	smov.u32 s23  }
0x50: {  	s31 =	simm.s32 $0x20;
	s25 =	simm.s32 @!p0 $0x3F0  }
0x51: {  	v3 =	vor.u32 s31, v2;
	[tilespmem:s25+$0x18880] =	vst.msk vm0, v4  }
0x52: {  	[tilespmem:s25+$0x18C80] =	vst.msk vm0, v3  }
0x53: {  	v3 =	vld [tilespmem:s24+$0x10];
	_ =	sdelay $0x4  }
0x54: {  	vm0 =	vgt.f32 v3, $9.599999780e-01  }
0x55: {  	v4 =	vsel vm0, $0x1, v1;
	s26 =	spop (v2sf)  }
0x56: {  	(xrf0) =	vadd.scan.msk.s32 $0xffff, v4;
	s23 =	sadd.s32 s23, s26  }
0x57: {  	p0 =	slt.s32 s23, $0x3F0;
	s25 =	smov.u32 s23  }
0x58: {  	s29 =	simm.s32 $0x30;
	s25 =	simm.s32 @!p0 $0x3F0  }
0x59: {  	[tilespmem:s25+$0x18880] =	vst.msk vm0, v3;
	v3 =	vor.u32 s29, v2;
	_ =	sdelay $0x2  }
0x5a: {  	[tilespmem:s25+$0x18C80] =	vst.msk vm0, v3;
	v3, _, _ =	vpop (xrf0)  }
0x5b: {  	(v2sf) =	vpush v3, $0xF;
	_ =	sdelay $0x1  }
0x5c: {  	v4 =	vld [tilespmem:s24+$0x20];
	_ =	sdelay $0x4  }
0x5d: {  	vm0 =	vgt.f32 v4, $9.599999780e-01  }
0x5e: {  	v3 =	vsel vm0, $0x1, v1  }
0x5f: {  	(xrf0) =	vadd.scan.msk.s32 $0xffff, v3;
	_ =	sdelay $0x5  }
0x60: {  	v3, _, _ =	vpop (xrf0);
	s30 =	spop (v2sf)  }
0x61: {  	(v2sf) =	vpush v3, $0xF;
	s28 =	sadd.s32 s23, s30  }
0x62: {  	p0 =	slt.s32 s28, $0x3F0;
	s23 =	smov.u32 s28  }
0x63: {  	s31 =	simm.s32 $0x40;
	s23 =	simm.s32 @!p0 $0x3F0  }
0x64: {  	v3 =	vor.u32 s31, v2;
	[tilespmem:s23+$0x18880] =	vst.msk vm0, v4  }
0x65: {  	s24 =	simm.s32 $0x70;
	[tilespmem:s23+$0x18C80] =	vst.msk vm0, v3  }
0x66: {  	v3 =	vld [tilespmem:s24+$0xFFFFFFE0];
	_ =	sdelay $0x4  }
0x67: {  	vm0 =	vgt.f32 v3, $9.599999780e-01  }
0x68: {  	v4 =	vsel vm0, $0x1, v1  }
0x69: {  	(xrf0) =	vadd.scan.msk.s32 $0xffff, v4;
	_ =	sdelay $0x2  }
0x6a: {  	s25 =	simm.s32 $0xE0;
	s23 =	simm.s32 $0x90;
	s26 =	spop (v2sf)  }
.LBB2_5:
0x6b: {  	p0 =	sne.s32 s25, $0x4E10  }
0x6c: {  	s28 =	sadd.s32 s28, s26;
	s26 =	smov.u32 s25;
	s25 =	sadd.s32 $0x50, s25  }
0x6d: {  	p1 =	slt.s32 s28, $0x3F0;
	v4, _, _ =	vpop (xrf0);
	s29 =	smov.u32 s28  }
0x6e: {  	s29 =	simm.s32 @!p1 $0x3F0;
	(v2sf) =	vpush v4, $0xF  }
0x6f: {  	s30 =	sadd.s32 $0xFFFFFFC0, s23  }
0x70: {  	[tilespmem:s29+$0x18880] =	vst.msk vm0, v3;
	v3 =	vor.u32 s30, v2  }
0x71: {  	[tilespmem:s29+$0x18C80] =	vst.msk vm0, v3  }
0x72: {  	v3 =	vld [tilespmem:s24+$0xFFFFFFF0];
	_ =	sdelay $0x4  }
0x73: {  	vm0 =	vgt.f32 v3, $9.599999780e-01  }
0x74: {  	v4 =	vsel vm0, $0x1, v1  }
0x75: {  	(xrf0) =	vadd.scan.msk.s32 $0xffff, v4;
	_ =	sdelay $0x3  }
0x76: {  	s29 =	spop (v2sf)  }
0x77: {  	s28 =	sadd.s32 s28, s29  }
0x78: {  	p1 =	slt.s32 s28, $0x3F0;
	v4, _, _ =	vpop (xrf0);
	s30 =	smov.u32 s28  }
0x79: {  	s29 =	sadd.s32 $0xFFFFFFD0, s23;
	s30 =	simm.s32 @!p1 $0x3F0;
	(v2sf) =	vpush v4, $0xF  }
0x7a: {  	[tilespmem:s30+$0x18880] =	vst.msk vm0, v3;
	v3 =	vor.u32 s29, v2  }
0x7b: {  	[tilespmem:s30+$0x18C80] =	vst.msk vm0, v3  }
0x7c: {  	v3 =	vld [tilespmem:s24+$0x0];
	_ =	sdelay $0x4  }
0x7d: {  	vm0 =	vgt.f32 v3, $9.599999780e-01  }
0x7e: {  	v4 =	vsel vm0, $0x1, v1  }
0x7f: {  	(xrf0) =	vadd.scan.msk.s32 $0xffff, v4;
	_ =	sdelay $0x4  }
0x80: {  	s29 =	spop (v2sf)  }
0x81: {  	s28 =	sadd.s32 s28, s29;
	v4, _, _ =	vpop (xrf0)  }
0x82: {  	p1 =	slt.s32 s28, $0x3F0;
	(v2sf) =	vpush v4, $0xF;
	s30 =	smov.u32 s28  }
0x83: {  	s29 =	sadd.s32 $0xFFFFFFE0, s23;
	s30 =	simm.s32 @!p1 $0x3F0  }
0x84: {  	[tilespmem:s30+$0x18880] =	vst.msk vm0, v3;
	v3 =	vor.u32 s29, v2  }
0x85: {  	[tilespmem:s30+$0x18C80] =	vst.msk vm0, v3  }
0x86: {  	v3 =	vld [tilespmem:s24+$0x10];
	_ =	sdelay $0x4  }
0x87: {  	vm0 =	vgt.f32 v3, $9.599999780e-01  }
0x88: {  	v4 =	vsel vm0, $0x1, v1  }
0x89: {  	(xrf0) =	vadd.scan.msk.s32 $0xffff, v4;
	_ =	sdelay $0x3  }
0x8a: {  	s29 =	spop (v2sf)  }
0x8b: {  	s28 =	sadd.s32 s28, s29  }
0x8c: {  	p1 =	slt.s32 s28, $0x3F0;
	v4, _, _ =	vpop (xrf0);
	s30 =	smov.u32 s28  }
0x8d: {  	s29 =	sadd.s32 $0xFFFFFFF0, s23;
	s30 =	simm.s32 @!p1 $0x3F0;
	(v2sf) =	vpush v4, $0xF  }
0x8e: {  	[tilespmem:s30+$0x18880] =	vst.msk vm0, v3;
	v3 =	vor.u32 s29, v2  }
0x8f: {  	[tilespmem:s30+$0x18C80] =	vst.msk vm0, v3  }
0x90: {  	v3 =	vld [tilespmem:s24+$0x20];
	_ =	sdelay $0x4  }
0x91: {  	vm0 =	vgt.f32 v3, $9.599999780e-01  }
0x92: {  	v4 =	vsel vm0, $0x1, v1  }
0x93: {  	(xrf0) =	vadd.scan.msk.s32 $0xffff, v4;
	_ =	sdelay $0x4  }
0x94: {  	s29 =	spop (v2sf)  }
0x95: {  	s28 =	sadd.s32 s28, s29;
	v4, _, _ =	vpop (xrf0)  }
0x96: {  	p1 =	slt.s32 s28, $0x3F0;
	(v2sf) =	vpush v4, $0xF;
	s29 =	smov.u32 s28  }
0x97: {  	s29 =	simm.s32 @!p1 $0x3F0  }
0x98: {  	[tilespmem:s29+$0x18880] =	vst.msk vm0, v3;
	v3 =	vor.u32 s23, v2;
	s23 =	smov.u32 s26  }
0x99: {  	s24 =	sadd.s32 $0x50, s24;
	[tilespmem:s29+$0x18C80] =	vst.msk vm0, v3  }
0x9a: {  	v3 =	vld [tilespmem:s24+$0xFFFFFFE0];
	_ =	sdelay $0x4  }
0x9b: {  	vm0 =	vgt.f32 v3, $9.599999780e-01  }
0x9c: {  	v4 =	vsel vm0, $0x1, v1  }
.Ltmp2:
0x9d: {  	(xrf0) =	vadd.scan.msk.s32 $0xffff, v4;
	(pc) =	sbr.rel @p0 .LBB2_5-.Ltmp2, $2  }
0x9e: {  	_ =	sdelay $0x2  }
0x9f: {  	s26 =	spop (v2sf)  }
0xa0: {  	_ = 	snop  }
0xa1: {  	v4, _, _ =	vpop (xrf0)  }
0xa2: {  	(v2sf) =	vpush v4, $0xF;
	_ =	sdelay $0x7  }
0xa3: {  	s25 =	sadd.s32 s28, s26  }
0xa4: {  	p0 =	slt.s32 s25, $0x3F0;
	s26 =	smov.u32 s25  }
0xa5: {  	s31 =	sadd.s32 $0xFFFFFFC0, s23;
	s26 =	simm.s32 @!p0 $0x3F0  }
0xa6: {  	[tilespmem:s26+$0x18880] =	vst.msk vm0, v3;
	v3 =	vor.u32 s31, v2  }
0xa7: {  	[tilespmem:s26+$0x18C80] =	vst.msk vm0, v3  }
0xa8: {  	v3 =	vld [tilespmem:s24+$0xFFFFFFF0];
	_ =	sdelay $0x1  }
0xa9: {  	s28 =	spop (v2sf)  }
0xaa: {  	s25 =	sadd.s32 s25, s28  }
0xab: {  	p0 =	slt.s32 s25, $0x3F0;
	s26 =	smov.u32 s25  }
0xac: {  	s29 =	sadd.s32 $0xFFFFFFD0, s23;
	vm12 =	vgt.f32 v3, $9.599999780e-01;
	s26 =	simm.s32 @!p0 $0x3F0  }
0xad: {  	v58 =	vsel vm12, $0x1, v1;
	[tilespmem:s26+$0x18880] =	vst.msk vm12, v3;
	v3 =	vor.u32 s29, v2  }
0xae: {  	(xrf0) =	vadd.scan.msk.s32 $0xffff, v58;
	[tilespmem:s26+$0x18C80] =	vst.msk vm12, v3  }
0xaf: {  	v3 =	vld [tilespmem:s24+$0x0];
	_ =	sdelay $0x4  }
0xb0: {  	v4, _, _ =	vpop (xrf0);
	vm13 =	vgt.f32 v3, $9.599999780e-01  }
0xb1: {  	(v2sf) =	vpush v4, $0xF;
	v59 =	vsel vm13, $0x1, v1  }
0xb2: {  	(xrf0) =	vadd.scan.msk.s32 $0xffff, v59;
	_ =	sdelay $0x5  }
0xb3: {  	v4, _, _ =	vpop (xrf0)  }
0xb4: {  	(v2sf) =	vpush v4, $0xF;
	_ =	sdelay $0x6  }
0xb5: {  	s30 =	spop (v2sf)  }
0xb6: {  	s25 =	sadd.s32 s25, s30  }
0xb7: {  	p0 =	slt.s32 s25, $0x3F0;
	s26 =	smov.u32 s25  }
0xb8: {  	s31 =	sadd.s32 $0xFFFFFFE0, s23;
	s26 =	simm.s32 @!p0 $0x3F0  }
0xb9: {  	[tilespmem:s26+$0x18880] =	vst.msk vm13, v3;
	v3 =	vor.u32 s31, v2  }
0xba: {  	[tilespmem:s26+$0x18C80] =	vst.msk vm13, v3  }
0xbb: {  	v3 =	vld [tilespmem:s24+$0x10];
	_ =	sdelay $0x1  }
0xbc: {  	s28 =	spop (v2sf)  }
0xbd: {  	s25 =	sadd.s32 s25, s28  }
0xbe: {  	p0 =	slt.s32 s25, $0x3F0;
	s26 =	smov.u32 s25  }
0xbf: {  	s29 =	sadd.s32 $0xFFFFFFF0, s23;
	vm14 =	vgt.f32 v3, $9.599999780e-01;
	s26 =	simm.s32 @!p0 $0x3F0  }
0xc0: {  	[tilespmem:s26+$0x18880] =	vst.msk vm14, v3;
	v3 =	vor.u32 s29, v2  }
0xc1: {  	[tilespmem:s26+$0x18C80] =	vst.msk vm14, v3  }
0xc2: {  	v3 =	vld [tilespmem:s24+$0x20];
	_ =	sdelay $0x4  }
0xc3: {  	v60 =	vsel vm14, $0x1, v1;
	vm15 =	vgt.f32 v3, $9.599999780e-01  }
0xc4: {  	(xrf0) =	vadd.scan.msk.s32 $0xffff, v60;
	v61 =	vsel vm15, $0x1, v1  }
0xc5: {  	(xrf0) =	vadd.scan.msk.s32 $0xffff, v61;
	_ =	sdelay $0x4  }
0xc6: {  	v62, _, _ =	vpop (xrf0)  }
0xc7: {  	(v2sf) =	vpush v62, $0xF;
	v63, _, _ =	vpop (xrf0)  }
0xc8: {  	(v2sf) =	vpush v63, $0xF;
	_ =	sdelay $0xd  }
0xc9: {  	s30 =	spop (v2sf)  }
0xca: {  	s24 =	sadd.s32 s25, s30;
	s31 =	spop (v2sf)  }
0xcb: {  	p0 =	slt.s32 s24, $0x3F0;
	s25 =	smov.u32 s24;
	s24 =	sadd.s32 s24, s31  }
0xcc: {  	s25 =	simm.s32 @!p0 $0x3F0;
	p0 =	slt.s32 s24, $0x3F1  }
.Ltmp3:
0xcd: {  	_ = 	snop;
	(pc) =	sbr.rel @p0 .LBB2_10-.Ltmp3, $3  }
0xce: {  	_ =	sdelay $0x1  }
0xcf: {  	[tilespmem:s25+$0x18880] =	vst.msk vm15, v3;
	v3 =	vor.u32 s23, v2  }
0xd0: {  	[tilespmem:s25+$0x18C80] =	vst.msk vm15, v3  }
0xd1: {  	s23 =	simm.s32 $0x40;
	s24 =	simm.s32 $0x0  }
.LBB2_8:
0xd2: {  	p0 =	sne.s32 s23, $0xFC0;
	[tilespmem:s24+$0x18880] =	vst v0;
	s25 =	smov.u32 s23;
	s23 =	sadd.s32 $0x40, s23  }
.Ltmp4:
0xd3: {  	[tilespmem:s24+$0x18C80] =	vst v1;
	(pc) =	sbr.rel @p0 .LBB2_8-.Ltmp4, $2  }
0xd4: {  	_ =	sdelay $0x2  }
0xd5: {  	s24 =	sshra.s32 s25, $0x2  }
0xd6: {  	[tilespmem:s24+$0x18880] =	vst v0  }
0xd7: {  	[tilespmem:s24+$0x18C80] =	vst v1  }
.LBB2_10:
0xd8: {  	[hbm4b:s7+s14] =	stream.strided.scatter [tilespmem:s21], [sflag:$0x1], $0x400, s15, s14, $0x38;
	[tilespmem:$0x19480] =	vst v63  }
0xd9: {  	_ =	swait.ge [sflag:s16], $0x400  }
0xda: {  	[sflag:s16] =	ssyncset.done $0x0  }
0xdb: {  	s23 =	simm.s32 $0x0;
	[sflag:s16] =	ssyncadd.s32 $0xFFFFFC00  }
0xdc: {  	v3 =	vld [tilespmem:s23+$0x18C80];
	_ =	sdelay $0x7  }
0xdd: {  	s24 =	simm.s32 $0x10;
	s25 =	simm.s32 $0x80;
	v3 =	vld.idx.msk [tilespmem:v3+s17+$0x0], $0xffff  }
.LBB2_11:
0xde: {  	p0 =	sne.s32 s25, $0xFC0;
	v4 =	vld [tilespmem:s24+$0x18C80];
	_ =	sdelay $0x3  }
.Ltmp5:
0xdf: {  	(pc) =	sbr.rel @p0 .LBB2_11-.Ltmp5, $2  }
0xe0: {  	[tilespmem:s23+$0x19080] =	vst v3;
	s23 =	smov.u32 s24;
	_ =	sdelay $0x2  }
0xe1: {  	s24 =	sshra.s32 s25, $0x2;
	s25 =	sadd.s32 $0x40, s25;
	v3 =	vld.idx.msk [tilespmem:v4+s17+$0x0], $0xffff  }
0xe2: {  	v4 =	vld [tilespmem:s24+$0x18C80];
	_ =	sdelay $0x6  }
0xe3: {  	[tilespmem:s23+$0x19080] =	vst v3  }
0xe4: {  	v3 =	vld.idx.msk [tilespmem:v4+s17+$0x0], $0xffff;
	_ =	sdelay $0x4  }
0xe5: {  	[tilespmem:s24+$0x19080] =	vst v3  }
0xe6: {  	[hbm4b:s8+s14] =	stream.strided.scatter [tilespmem:s22], [sflag:$0x1], $0x400, s15, s14, $0x38;
	[tilespmem:$0x19480] =	vst v63  }
0xe7: {  	_ =	swait.ge [sflag:s16], $0x400  }
0xe8: {  	[sflag:s16] =	ssyncset.done $0x0  }
0xe9: {  	s23 =	simm.s32 $0x0;
	[sflag:s16] =	ssyncadd.s32 $0xFFFFFC00  }
0xea: {  	v3 =	vld [tilespmem:s23+$0x18C80];
	_ =	sdelay $0x7  }
0xeb: {  	s25 =	simm.s32 $0x80;
	s24 =	simm.s32 $0x10;
	v3 =	vld.idx.msk [tilespmem:v3+s18+$0x0], $0xffff  }
.LBB2_13:
0xec: {  	p0 =	sne.s32 s25, $0xFC0;
	v4 =	vld [tilespmem:s24+$0x18C80];
	_ =	sdelay $0x3  }
.Ltmp6:
0xed: {  	(pc) =	sbr.rel @p0 .LBB2_13-.Ltmp6, $2  }
0xee: {  	[tilespmem:s23+$0x19080] =	vst v3;
	s23 =	smov.u32 s24;
	_ =	sdelay $0x2  }
0xef: {  	s24 =	sshra.s32 s25, $0x2;
	s25 =	sadd.s32 $0x40, s25;
	v3 =	vld.idx.msk [tilespmem:v4+s18+$0x0], $0xffff  }
0xf0: {  	v4 =	vld [tilespmem:s24+$0x18C80];
	_ =	sdelay $0x6  }
0xf1: {  	[tilespmem:s23+$0x19080] =	vst v3  }
0xf2: {  	v3 =	vld.idx.msk [tilespmem:v4+s18+$0x0], $0xffff;
	_ =	sdelay $0x4  }
0xf3: {  	[tilespmem:s24+$0x19080] =	vst v3  }
0xf4: {  	[hbm4b:s9+s14] =	stream.strided.scatter [tilespmem:s22], [sflag:$0x1], $0x400, s15, s14, $0x38;
	[tilespmem:$0x19480] =	vst v63  }
0xf5: {  	_ =	swait.ge [sflag:s16], $0x400  }
0xf6: {  	[sflag:s16] =	ssyncset.done $0x0  }
0xf7: {  	s23 =	simm.s32 $0x0;
	[sflag:s16] =	ssyncadd.s32 $0xFFFFFC00  }
0xf8: {  	v3 =	vld [tilespmem:s23+$0x18C80];
	_ =	sdelay $0x7  }
0xf9: {  	s25 =	simm.s32 $0x80;
	s24 =	simm.s32 $0x10;
	v3 =	vld.idx.msk [tilespmem:v3+s19+$0x0], $0xffff  }
.LBB2_15:
0xfa: {  	p0 =	sne.s32 s25, $0xFC0;
	v4 =	vld [tilespmem:s24+$0x18C80];
	_ =	sdelay $0x3  }
.Ltmp7:
0xfb: {  	(pc) =	sbr.rel @p0 .LBB2_15-.Ltmp7, $2  }
0xfc: {  	[tilespmem:s23+$0x19080] =	vst v3;
	s23 =	smov.u32 s24;
	_ =	sdelay $0x2  }
0xfd: {  	s24 =	sshra.s32 s25, $0x2;
	s25 =	sadd.s32 $0x40, s25;
	v3 =	vld.idx.msk [tilespmem:v4+s19+$0x0], $0xffff  }
0xfe: {  	v4 =	vld [tilespmem:s24+$0x18C80];
	_ =	sdelay $0x6  }
0xff: {  	[tilespmem:s23+$0x19080] =	vst v3  }
0x100: {  	v3 =	vld.idx.msk [tilespmem:v4+s19+$0x0], $0xffff;
	_ =	sdelay $0x4  }
0x101: {  	[tilespmem:s24+$0x19080] =	vst v3  }
0x102: {  	[hbm4b:s10+s14] =	stream.strided.scatter [tilespmem:s22], [sflag:$0x1], $0x400, s15, s14, $0x38;
	[tilespmem:$0x19480] =	vst v63  }
0x103: {  	_ =	swait.ge [sflag:s16], $0x400  }
0x104: {  	[sflag:s16] =	ssyncset.done $0x0  }
0x105: {  	s23 =	simm.s32 $0x0;
	[sflag:s16] =	ssyncadd.s32 $0xFFFFFC00  }
0x106: {  	v3 =	vld [tilespmem:s23+$0x18C80];
	_ =	sdelay $0x7  }
0x107: {  	s25 =	simm.s32 $0x80;
	s24 =	simm.s32 $0x10;
	v3 =	vld.idx.msk [tilespmem:v3+s20+$0x0], $0xffff  }
.LBB2_17:
0x108: {  	p0 =	sne.s32 s25, $0xFC0;
	v4 =	vld [tilespmem:s24+$0x18C80];
	_ =	sdelay $0x3  }
.Ltmp8:
0x109: {  	(pc) =	sbr.rel @p0 .LBB2_17-.Ltmp8, $2  }
0x10a: {  	[tilespmem:s23+$0x19080] =	vst v3;
	s23 =	smov.u32 s24;
	_ =	sdelay $0x2  }
0x10b: {  	s24 =	sshra.s32 s25, $0x2;
	s25 =	sadd.s32 $0x40, s25;
	v3 =	vld.idx.msk [tilespmem:v4+s20+$0x0], $0xffff  }
0x10c: {  	v4 =	vld [tilespmem:s24+$0x18C80];
	_ =	sdelay $0x6  }
0x10d: {  	[tilespmem:s23+$0x19080] =	vst v3  }
0x10e: {  	v3 =	vld.idx.msk [tilespmem:v4+s20+$0x0], $0xffff;
	_ =	sdelay $0x2  }
0x10f: {  	s2 =	sadd.s32 $0x1, s2  }
0x110: {  	p0 =	sne.s32 s2, s13  }
.Ltmp9:
0x111: {  	[tilespmem:s24+$0x19080] =	vst v3;
	(pc) =	sbr.rel @p0 .LBB2_2-.Ltmp9, $4  }
0x112: {  	[hbm4b:s11+s14] =	stream.strided.scatter [tilespmem:s22], [sflag:$0x1], $0x400, s15, s14, $0x38;
	[tilespmem:$0x19480] =	vst v63  }
0x113: {  	_ =	swait.ge [sflag:s16], $0x400  }
0x114: {  	[sflag:s16] =	ssyncset.done $0x0  }
0x115: {  	[sflag:s16] =	ssyncadd.s32 $0xFFFFFC00  }
.LBB2_19:
0x116: {  	_ =	sfence.sel $0x180000  }
0x117: {  	[bflag:$0x0] =	sbarrier.arrive $0xFFFF  }
0x118: {  	p0 =	sne.s32 s1, $0x0;
	_ =	strace $0x90000047  }
0x119: {  	s0 =	sadd.s32 @!p0 $0x100000, s0;
	[bflag:$0x2] =	sbarrier.arrive $0xFFFF  }
0x11a: {  	[sflag:s0] =	ssyncadd.tile.s32 @!p0 $0x1;
	_ =	shalt  }
.Lfunc_end2:
_tile_overlayer_lowered:
.L_overlay_start_2:
0x11b: {  	(tag) =	ssettag $0x2  }
0x11c: {  	s0 =	rddreg [dreg:$0x0];
	s2 =	stileid.u32  }
0x11d: {  	s1 =	rddreg [dreg:$0x1];
	p0 =	sne.s32 s2, $0x0  }
0x11e: {  	s3 =	rddreg [dreg:$0x2];
	[bflag:$0x3] =	sbarrier.arrive $0xFFFF;
	s2 =	simm.s32 @!p0 $0x1C01  }
0x11f: {  	[timem:s3], [sflag:s2] =	dma.local @!p0 [hbm:s0], s1  }
0x120: {  	s0 =	simm.s32 @!p0 $0x1  }
0x121: {  	_ =	swait.ge @!p0 [sflag:s0], s1  }
0x122: {  	s1 =	ssub.s32 @!p0 $0x0, s1;
	[sflag:s0] =	ssyncset.done @!p0 $0x0  }
0x123: {  	[sflag:s0] =	ssyncadd.s32 @!p0 s1  }
0x124: {  	[bflag:$0x3] =	sbarrier.arrive $0xFFFF  }
0x125: {  	_ =	shalt  }

</sc_bundles>
